<compile_context>
chip_gen: v7x
topology: tpu7x:2x2x1
jax: 0.10.2.dev20260603
libtpu: 0.0.44.dev20260713+nightly
codegen_flags: <defaults>
</compile_context>

<pallas_src>
import functools

import jax
import jax.numpy as jnp
from jax import lax
from jax.experimental import pallas as pl
from jax.experimental.pallas import tpu as pltpu
from jax.experimental.pallas import tpu_sc as plsc

BS = 256


RB = 512


def _routing_body(x_ref, c_ref, pos_ref, b2e_ref, best_s, rank_s, carry_s,
                  *, Bn, En, nblk, nsteps):
    t = pl.program_id(0)

    @pl.when(t == 0)
    def _():
        carry_s[...] = jnp.zeros_like(carry_s)

    @pl.when(t < nsteps)
    def _():
        xb = x_ref[...]
        best_d = jnp.full((RB, 1), jnp.inf, jnp.float32)
        best_i = jnp.zeros((RB, 1), jnp.int32)
        for e in range(En):
            diff = xb - c_ref[e:e + 1, :]
            d2 = jnp.sum(diff * diff, axis=1, keepdims=True)
            upd = d2 < best_d
            best_i = jnp.where(upd, e, best_i)
            best_d = jnp.where(upd, d2, best_d)

        lane = lax.broadcasted_iota(jnp.int32, (RB, En), 1)
        oh = (best_i == lane).astype(jnp.int32)
        cs = oh
        s = 1
        while s < RB:
            shifted = jnp.concatenate(
                [jnp.zeros((s, En), jnp.int32), cs[:RB - s, :]], axis=0)
            cs = cs + shifted
            s *= 2
        carry = carry_s[...]
        rank1 = jnp.sum(oh * (carry + cs - oh), axis=1, keepdims=True)
        best_s[pl.ds(t * RB, RB), :] = best_i
        rank_s[pl.ds(t * RB, RB), :] = rank1
        carry_s[...] = carry + cs[RB - 1:RB, :]

    @pl.when(t == nsteps)
    def _():
        counts = carry_s[...]
        padded = ((counts + (BS - 1)) // BS) * BS

        pcb = jnp.broadcast_to(padded.astype(jnp.float32), (En, En))
        r = lax.broadcasted_iota(jnp.int32, (En, En), 0)
        c = lax.broadcasted_iota(jnp.int32, (En, En), 1)
        tri = (r < c).astype(jnp.float32)
        offs = lax.dot(pcb, tri,
                       preferred_element_type=jnp.float32)[0:1, :]
        offs = offs.astype(jnp.int32)

        lane = lax.broadcasted_iota(jnp.int32, (Bn, En), 1)
        oh2 = (best_s[...] == lane).astype(jnp.int32)
        pos_ref[...] = jnp.sum(oh2 * offs, axis=1) + rank_s[...][:, 0]

        kstart = lax.broadcasted_iota(jnp.int32, (nblk, En), 0) * BS
        ge = (kstart >= jnp.broadcast_to(offs, (nblk, En))).astype(jnp.int32)
        b2e = jnp.sum(ge, axis=1) - 1
        total = jnp.sum(padded)
        kcol = lax.broadcasted_iota(jnp.int32, (nblk,), 0) * BS
        b2e_ref[...] = jnp.where(kcol < total, b2e, -1)


def _ae_body(b2e_s, xs_ref, c_ref, we_ref, be_ref, wd_ref, bd_ref, out_ref,
             *, half):
    k = pl.program_id(0) * half + pl.program_id(1)
    e = b2e_s[k]

    @pl.when(e >= 0)
    def _():
        xc = xs_ref[...] - c_ref[0]
        h = jnp.tanh(
            lax.dot(xc, we_ref[0], preferred_element_type=jnp.float32)
            + be_ref[0])
        out_ref[...] = (
            lax.dot(h, wd_ref[0], preferred_element_type=jnp.float32)
            + bd_ref[0])


def kernel(x, centers, W_e, b_e, W_d, b_d):
    B, D = x.shape
    E, _, H = W_e.shape
    nblk = B // BS + E
    tot = nblk * BS
    f32 = jnp.float32

    nsteps = B // RB
    pos, b2e = pl.pallas_call(
        functools.partial(_routing_body, Bn=B, En=E, nblk=nblk,
                          nsteps=nsteps),
        grid=(nsteps + 1,),
        in_specs=[
            pl.BlockSpec((RB, D), lambda t: (jnp.minimum(t, nsteps - 1), 0)),
            pl.BlockSpec((E, D), lambda t: (0, 0)),
        ],
        out_specs=(pl.BlockSpec((B,), lambda t: (0,)),
                   pl.BlockSpec((nblk,), lambda t: (0,))),
        out_shape=(jax.ShapeDtypeStruct((B,), jnp.int32),
                   jax.ShapeDtypeStruct((nblk,), jnp.int32)),
        scratch_shapes=[pltpu.VMEM((B, 1), jnp.int32),
                        pltpu.VMEM((B, 1), jnp.int32),
                        pltpu.VMEM((1, E), jnp.int32)],
        compiler_params=pltpu.CompilerParams(
            dimension_semantics=("arbitrary",)),
    )(x, centers)

    mesh = plsc.VectorSubcoreMesh(core_axis_name="c", subcore_axis_name="s",
                                  num_cores=2, num_subcores=16)
    nw = 32
    rpw = B // nw

    @functools.partial(
        pl.kernel, mesh=mesh,
        out_type=jax.ShapeDtypeStruct((tot, D), f32),
        scratch_types=[pltpu.VMEM((rpw,), jnp.int32),
                       pltpu.VMEM((rpw, D), f32),
                       pltpu.SemaphoreType.DMA],
    )
    def dispatch(x_hbm, pos_hbm, xs_hbm, idx_v, rows_v, sem):
        wid = lax.axis_index("s") * 2 + lax.axis_index("c")
        base = wid * rpw
        pltpu.sync_copy(pos_hbm.at[pl.ds(base, rpw)], idx_v)
        pltpu.sync_copy(x_hbm.at[pl.ds(base, rpw)], rows_v)
        pltpu.async_copy(rows_v, xs_hbm.at[idx_v], sem).wait()

    xs = dispatch(x, pos)

    half = nblk // 2

    def kid(c, j, b2e_ref):
        return c * half + j

    def e_of(c, j, b2e_ref):
        k = kid(c, j, b2e_ref)
        return jnp.where(b2e_ref[k] < 0, E - 1, b2e_ref[k])

    def x_of(c, j, b2e_ref):
        k = kid(c, j, b2e_ref)
        return jnp.where(b2e_ref[k] < 0, 0, k)

    def y_of(c, j, b2e_ref):
        k = kid(c, j, b2e_ref)
        return jnp.where(b2e_ref[k] < 0, nblk - 1, k)

    grid_spec = pltpu.PrefetchScalarGridSpec(
        num_scalar_prefetch=1,
        grid=(2, half),
        in_specs=[
            pl.BlockSpec((BS, D), lambda c, j, b: (x_of(c, j, b), 0)),
            pl.BlockSpec((1, 1, D), lambda c, j, b: (e_of(c, j, b), 0, 0)),
            pl.BlockSpec((1, D, H), lambda c, j, b: (e_of(c, j, b), 0, 0)),
            pl.BlockSpec((1, 1, H), lambda c, j, b: (e_of(c, j, b), 0, 0)),
            pl.BlockSpec((1, H, D), lambda c, j, b: (e_of(c, j, b), 0, 0)),
            pl.BlockSpec((1, 1, D), lambda c, j, b: (e_of(c, j, b), 0, 0)),
        ],
        out_specs=pl.BlockSpec((BS, D), lambda c, j, b: (y_of(c, j, b), 0)),
    )
    ys = pl.pallas_call(
        functools.partial(_ae_body, half=half),
        grid_spec=grid_spec,
        out_shape=jax.ShapeDtypeStruct((tot, D), f32),
        compiler_params=pltpu.CompilerParams(
            dimension_semantics=("parallel", "arbitrary")),
    )(b2e, xs, centers.reshape(E, 1, D), W_e, b_e.reshape(E, 1, H),
      W_d, b_d.reshape(E, 1, D))

    @functools.partial(
        pl.kernel, mesh=mesh,
        out_type=jax.ShapeDtypeStruct((B, D), f32),
        scratch_types=[pltpu.VMEM((rpw,), jnp.int32),
                       pltpu.VMEM((rpw, D), f32),
                       pltpu.SemaphoreType.DMA],
    )
    def combine(ys_hbm, pos_hbm, out_hbm, idx_v, rows_v, sem):
        wid = lax.axis_index("s") * 2 + lax.axis_index("c")
        base = wid * rpw
        pltpu.sync_copy(pos_hbm.at[pl.ds(base, rpw)], idx_v)
        pltpu.async_copy(ys_hbm.at[idx_v], rows_v, sem).wait()
        pltpu.sync_copy(rows_v, out_hbm.at[pl.ds(base, rpw)])

    return combine(ys, pos)

# --- scband reference (transcript-rebuilt; emitter-appended) ---
"""Pipeline reference for scband-tensorized-autoencoder-87900800680230 (READ-ONLY COPY).

The authoritative reference and input builder live on the scoring server;
editing this copy changes nothing except your own understanding.
"""

import jax, jax.numpy as jnp
import numpy as np

B, D, E, H = 2048, 768, 8, 256

def setup_inputs(seed: int = 0) -> dict:
    key = jax.random.key(seed)
    ks = jax.random.split(key, 6)
    x = jax.random.normal(ks[0], (B, D), dtype=jnp.float32)
    centers = jax.random.normal(ks[1], (E, D), dtype=jnp.float32)
    # Per-cluster autoencoder parameters (encoder D->H with tanh, decoder H->D)
    W_e = jax.random.normal(ks[2], (E, D, H), dtype=jnp.float32) * (1.0 / np.sqrt(D))
    b_e = jnp.zeros((E, H), dtype=jnp.float32)
    W_d = jax.random.normal(ks[3], (E, H, D), dtype=jnp.float32) * (1.0 / np.sqrt(H))
    b_d = jnp.zeros((E, D), dtype=jnp.float32)
    return {"x": x, "centers": centers, "W_e": W_e, "b_e": b_e, "W_d": W_d, "b_d": b_d}

def reference(x, centers, W_e, b_e, W_d, b_d):
    # TensorizedAutoencoder.forward_pass: nearest-center assignment (hard routing),
    # then per-sample apply the assigned cluster's autoencoder to (x - center[clust]).
    # _assign_centers_to_data: euclidean distance of flattened data to each center
    diff = x[:, None, :] - centers[None, :, :]          # [B, E, D]
    dists = jnp.linalg.norm(diff, axis=-1)              # [B, E]
    clust_idx = jnp.argmin(dists, axis=1)               # [B] hard assignment
    # Compute every cluster's AE on its centered input (same math as per-sample loop,
    # vectorized over experts), then select the assigned expert's output per sample.
    xc = diff                                            # x - centers[c], [B, E, D]
    embed = jnp.tanh(jnp.einsum('bed,edh->beh', xc, W_e) + b_e[None, :, :])  # [B, E, H]
    out_all = jnp.einsum('beh,ehd->bed', embed, W_d) + b_d[None, :, :]        # [B, E, D]
    out = jnp.take_along_axis(out_all, clust_idx[:, None, None], axis=1)[:, 0, :]  # [B, D]
    return out

if False:  # reference __main__ guard neutralized (emitter)
    inp = setup_inputs()
    o = reference(**inp)
    print(o.shape)

if __name__ == "__main__":
    import jax
    _d = setup_inputs()
    print(jax.jit(kernel)(*tuple(_d.values())))

</pallas_src>

<mosaic_0001>
#map = affine_map<(d0, d1) -> (0, 0)>
#map1 = affine_map<(d0, d1) -> (0)>
module attributes {stable_mosaic.version = 14 : i64} {
  func.func @dispatch(%arg0: i32, %arg1: i32, %arg2: memref<2048x768xf32, #tpu.memory_space<hbm>>, %arg3: memref<2048xi32, #tpu.memory_space<hbm>>, %arg4: memref<4096x768xf32, #tpu.memory_space<hbm>>, %arg5: memref<64xi32, #tpu.memory_space<vmem>>, %arg6: memref<64x768xf32, #tpu.memory_space<vmem>>, %arg7: memref<!tpu.dma_semaphore, #tpu.memory_space<semaphore_mem>>) attributes {dimension_semantics = [#tpu.dimension_semantics<core_parallel>, #tpu.dimension_semantics<subcore_parallel>], iteration_bounds = array<i64: 2, 16>, scalar_prefetch = 0 : i64, scratch_operands = 3 : i64, tpu.core_type = #tpu.core_type<sc_vector_subcore>, window_params = [{transform_indices = #map}, {transform_indices = #map1}, {transform_indices = #map}]} {
    %mul3A = arith.constant 2 : i32
    %mul3A_0 = arith.muli %arg1, %mul3A : i32
    %add3A = arith.addi %mul3A_0, %arg0 : i32
    %mul3A_1 = arith.constant 64 : i32
    %mul3A_2 = arith.muli %add3A, %mul3A_1 : i32
    "tpu.region"() ({
      %run_scoped3A = tpu.sem_alloc : memref<!tpu.dma_semaphore, #tpu.memory_space<semaphore_mem>>
      %dma_start3A_7 = tpu.memref_slice %arg3[%mul3A_2] : memref<2048xi32, #tpu.memory_space<hbm>> -> memref<64xi32, #tpu.memory_space<hbm>>
      %dma_start3A_8 = tpu.memref_slice %arg3[%mul3A_2] : memref<2048xi32, #tpu.memory_space<hbm>> -> memref<64xi32, #tpu.memory_space<hbm>>
      tpu.enqueue_dma source(%dma_start3A_8 : memref<64xi32, #tpu.memory_space<hbm>>) target(%arg5 : memref<64xi32, #tpu.memory_space<vmem>>) target_semaphore(%run_scoped3A : memref<!tpu.dma_semaphore, #tpu.memory_space<semaphore_mem>>)
      %dma_wait3A_9 = tpu.memref_slice %arg3[%mul3A_2] : memref<2048xi32, #tpu.memory_space<hbm>> -> memref<64xi32, #tpu.memory_space<hbm>>
      %dma_wait3A_10 = tpu.memref_slice %arg3[%mul3A_2] : memref<2048xi32, #tpu.memory_space<hbm>> -> memref<64xi32, #tpu.memory_space<hbm>>
      tpu.wait_dma2 semaphore(%run_scoped3A : memref<!tpu.dma_semaphore, #tpu.memory_space<semaphore_mem>>) src(%dma_wait3A_10 : memref<64xi32, #tpu.memory_space<hbm>>) dst(%arg5 : memref<64xi32, #tpu.memory_space<vmem>>)
      tpu.yield
    }) : () -> ()
    "tpu.region"() ({
      %run_scoped3A = tpu.sem_alloc : memref<!tpu.dma_semaphore, #tpu.memory_space<semaphore_mem>>
      %dma_start3A_7 = arith.constant 0 : i32
      %dma_start3A_8 = tpu.memref_slice %arg2[%mul3A_2, %dma_start3A_7] : memref<2048x768xf32, #tpu.memory_space<hbm>> -> memref<64x768xf32, #tpu.memory_space<hbm>>
      %dma_start3A_9 = arith.constant 0 : i32
      %dma_start3A_10 = tpu.memref_slice %arg2[%mul3A_2, %dma_start3A_9] : memref<2048x768xf32, #tpu.memory_space<hbm>> -> memref<64x768xf32, #tpu.memory_space<hbm>>
      tpu.enqueue_dma source(%dma_start3A_10 : memref<64x768xf32, #tpu.memory_space<hbm>>) target(%arg6 : memref<64x768xf32, #tpu.memory_space<vmem>>) target_semaphore(%run_scoped3A : memref<!tpu.dma_semaphore, #tpu.memory_space<semaphore_mem>>)
      %dma_wait3A_11 = arith.constant 0 : i32
      %dma_wait3A_12 = tpu.memref_slice %arg2[%mul3A_2, %dma_wait3A_11] : memref<2048x768xf32, #tpu.memory_space<hbm>> -> memref<64x768xf32, #tpu.memory_space<hbm>>
      %dma_wait3A_13 = arith.constant 0 : i32
      %dma_wait3A_14 = tpu.memref_slice %arg2[%mul3A_2, %dma_wait3A_13] : memref<2048x768xf32, #tpu.memory_space<hbm>> -> memref<64x768xf32, #tpu.memory_space<hbm>>
      tpu.wait_dma2 semaphore(%run_scoped3A : memref<!tpu.dma_semaphore, #tpu.memory_space<semaphore_mem>>) src(%dma_wait3A_14 : memref<64x768xf32, #tpu.memory_space<hbm>>) dst(%arg6 : memref<64x768xf32, #tpu.memory_space<vmem>>)
      tpu.yield
    }) : () -> ()
    %dma_start3A = arith.constant 0 : i32
    %dma_start3A_3 = arith.constant 0 : i32
    %dma_start3A_4 = tpu.memref_slice %arg4[%dma_start3A, %dma_start3A_3] : memref<4096x768xf32, #tpu.memory_space<hbm>> -> memref<4096x768xf32, #tpu.memory_space<hbm>>
    tpu.enqueue_indirect_dma source(%arg6 : memref<64x768xf32, #tpu.memory_space<vmem>>) target(%dma_start3A_4 : memref<4096x768xf32, #tpu.memory_space<hbm>>) offsets(%arg5 : memref<64xi32, #tpu.memory_space<vmem>>) semaphore(%arg7 : memref<!tpu.dma_semaphore, #tpu.memory_space<semaphore_mem>>)
    %dma_wait3A = arith.constant 0 : i32
    %dma_wait3A_5 = arith.constant 0 : i32
    %dma_wait3A_6 = tpu.memref_slice %arg4[%dma_wait3A, %dma_wait3A_5] : memref<4096x768xf32, #tpu.memory_space<hbm>> -> memref<4096x768xf32, #tpu.memory_space<hbm>>
    tpu.wait_indirect_dma semaphore(%arg7 : memref<!tpu.dma_semaphore, #tpu.memory_space<semaphore_mem>>) src(%arg6 : memref<64x768xf32, #tpu.memory_space<vmem>>) dst(%dma_wait3A_6 : memref<4096x768xf32, #tpu.memory_space<hbm>>)
    return
  }
}

#map = affine_map<(d0, d1) -> (0, 0)>
#map1 = affine_map<(d0, d1) -> (0)>
module attributes {stable_mosaic.version = 14 : i64} {
  func.func @combine(%arg0: i32, %arg1: i32, %arg2: memref<4096x768xf32, #tpu.memory_space<hbm>>, %arg3: memref<2048xi32, #tpu.memory_space<hbm>>, %arg4: memref<2048x768xf32, #tpu.memory_space<hbm>>, %arg5: memref<64xi32, #tpu.memory_space<vmem>>, %arg6: memref<64x768xf32, #tpu.memory_space<vmem>>, %arg7: memref<!tpu.dma_semaphore, #tpu.memory_space<semaphore_mem>>) attributes {dimension_semantics = [#tpu.dimension_semantics<core_parallel>, #tpu.dimension_semantics<subcore_parallel>], iteration_bounds = array<i64: 2, 16>, scalar_prefetch = 0 : i64, scratch_operands = 3 : i64, tpu.core_type = #tpu.core_type<sc_vector_subcore>, window_params = [{transform_indices = #map}, {transform_indices = #map1}, {transform_indices = #map}]} {
    %mul3A = arith.constant 2 : i32
    %mul3A_0 = arith.muli %arg1, %mul3A : i32
    %add3A = arith.addi %mul3A_0, %arg0 : i32
    %mul3A_1 = arith.constant 64 : i32
    %mul3A_2 = arith.muli %add3A, %mul3A_1 : i32
    "tpu.region"() ({
      %run_scoped3A = tpu.sem_alloc : memref<!tpu.dma_semaphore, #tpu.memory_space<semaphore_mem>>
      %dma_start3A_7 = tpu.memref_slice %arg3[%mul3A_2] : memref<2048xi32, #tpu.memory_space<hbm>> -> memref<64xi32, #tpu.memory_space<hbm>>
      %dma_start3A_8 = tpu.memref_slice %arg3[%mul3A_2] : memref<2048xi32, #tpu.memory_space<hbm>> -> memref<64xi32, #tpu.memory_space<hbm>>
      tpu.enqueue_dma source(%dma_start3A_8 : memref<64xi32, #tpu.memory_space<hbm>>) target(%arg5 : memref<64xi32, #tpu.memory_space<vmem>>) target_semaphore(%run_scoped3A : memref<!tpu.dma_semaphore, #tpu.memory_space<semaphore_mem>>)
      %dma_wait3A_9 = tpu.memref_slice %arg3[%mul3A_2] : memref<2048xi32, #tpu.memory_space<hbm>> -> memref<64xi32, #tpu.memory_space<hbm>>
      %dma_wait3A_10 = tpu.memref_slice %arg3[%mul3A_2] : memref<2048xi32, #tpu.memory_space<hbm>> -> memref<64xi32, #tpu.memory_space<hbm>>
      tpu.wait_dma2 semaphore(%run_scoped3A : memref<!tpu.dma_semaphore, #tpu.memory_space<semaphore_mem>>) src(%dma_wait3A_10 : memref<64xi32, #tpu.memory_space<hbm>>) dst(%arg5 : memref<64xi32, #tpu.memory_space<vmem>>)
      tpu.yield
    }) : () -> ()
    %dma_start3A = arith.constant 0 : i32
    %dma_start3A_3 = arith.constant 0 : i32
    %dma_start3A_4 = tpu.memref_slice %arg2[%dma_start3A, %dma_start3A_3] : memref<4096x768xf32, #tpu.memory_space<hbm>> -> memref<4096x768xf32, #tpu.memory_space<hbm>>
    tpu.enqueue_indirect_dma source(%dma_start3A_4 : memref<4096x768xf32, #tpu.memory_space<hbm>>) target(%arg6 : memref<64x768xf32, #tpu.memory_space<vmem>>) offsets(%arg5 : memref<64xi32, #tpu.memory_space<vmem>>) semaphore(%arg7 : memref<!tpu.dma_semaphore, #tpu.memory_space<semaphore_mem>>)
    %dma_wait3A = arith.constant 0 : i32
    %dma_wait3A_5 = arith.constant 0 : i32
    %dma_wait3A_6 = tpu.memref_slice %arg2[%dma_wait3A, %dma_wait3A_5] : memref<4096x768xf32, #tpu.memory_space<hbm>> -> memref<4096x768xf32, #tpu.memory_space<hbm>>
    tpu.wait_indirect_dma semaphore(%arg7 : memref<!tpu.dma_semaphore, #tpu.memory_space<semaphore_mem>>) src(%dma_wait3A_6 : memref<4096x768xf32, #tpu.memory_space<hbm>>) dst(%arg6 : memref<64x768xf32, #tpu.memory_space<vmem>>)
    "tpu.region"() ({
      %run_scoped3A = tpu.sem_alloc : memref<!tpu.dma_semaphore, #tpu.memory_space<semaphore_mem>>
      %dma_start3A_7 = arith.constant 0 : i32
      %dma_start3A_8 = tpu.memref_slice %arg4[%mul3A_2, %dma_start3A_7] : memref<2048x768xf32, #tpu.memory_space<hbm>> -> memref<64x768xf32, #tpu.memory_space<hbm>>
      %dma_start3A_9 = arith.constant 0 : i32
      %dma_start3A_10 = tpu.memref_slice %arg4[%mul3A_2, %dma_start3A_9] : memref<2048x768xf32, #tpu.memory_space<hbm>> -> memref<64x768xf32, #tpu.memory_space<hbm>>
      tpu.enqueue_dma source(%arg6 : memref<64x768xf32, #tpu.memory_space<vmem>>) target(%dma_start3A_10 : memref<64x768xf32, #tpu.memory_space<hbm>>) target_semaphore(%run_scoped3A : memref<!tpu.dma_semaphore, #tpu.memory_space<semaphore_mem>>)
      %dma_wait3A_11 = arith.constant 0 : i32
      %dma_wait3A_12 = tpu.memref_slice %arg4[%mul3A_2, %dma_wait3A_11] : memref<2048x768xf32, #tpu.memory_space<hbm>> -> memref<64x768xf32, #tpu.memory_space<hbm>>
      %dma_wait3A_13 = arith.constant 0 : i32
      %dma_wait3A_14 = tpu.memref_slice %arg4[%mul3A_2, %dma_wait3A_13] : memref<2048x768xf32, #tpu.memory_space<hbm>> -> memref<64x768xf32, #tpu.memory_space<hbm>>
      tpu.wait_dma2 semaphore(%run_scoped3A : memref<!tpu.dma_semaphore, #tpu.memory_space<semaphore_mem>>) src(%arg6 : memref<64x768xf32, #tpu.memory_space<vmem>>) dst(%dma_wait3A_14 : memref<64x768xf32, #tpu.memory_space<hbm>>)
      tpu.yield
    }) : () -> ()
    return
  }
}

module attributes {stable_mosaic.version = 14 : i64} {
  func.func @_routing_body(%arg0: i32, %arg1: memref<512x768xf32, #tpu.memory_space<vmem>>, %arg2: memref<8x768xf32, #tpu.memory_space<vmem>>, %arg3: memref<2048xi32, #tpu.memory_space<vmem>>, %arg4: memref<16xi32, #tpu.memory_space<vmem>>, %arg5: memref<2048x1xi32, #tpu.memory_space<vmem>>, %arg6: memref<2048x1xi32, #tpu.memory_space<vmem>>, %arg7: memref<1x8xi32, #tpu.memory_space<vmem>>) attributes {dimension_semantics = [#tpu.dimension_semantics<arbitrary>], iteration_bounds = array<i64: 5>, scalar_prefetch = 0 : i64, scratch_operands = 3 : i64, tpu.core_type = #tpu.core_type<tc>, window_params = [{transform_indices = @transform_0, window_bounds = array<i64: 512, 768>}, {pipeline_mode = #tpu.pipeline_mode<synchronous>, transform_indices = @transform_1, window_bounds = array<i64: 8, 768>}, {pipeline_mode = #tpu.pipeline_mode<synchronous>, transform_indices = @transform_2, window_bounds = array<i64: 2048>}, {pipeline_mode = #tpu.pipeline_mode<synchronous>, transform_indices = @transform_3, window_bounds = array<i64: 16>}]} {
    %eq3A = arith.constant 0 : i32
    %eq3A_0 = arith.cmpi eq, %arg0, %eq3A : i32
    %convert_element_type3A = arith.extui %eq3A_0 : i1 to i32
    %cond3A = arith.constant 0 : i32
    %cond3A_1 = arith.cmpi ne, %convert_element_type3A, %cond3A : i32
    scf.if %cond3A_1 {
      %broadcast_in_dim3A = arith.constant 0 : i32
      %broadcast_in_dim3A_11 = vector.broadcast %broadcast_in_dim3A : i32 to vector<1x8xi32>
      %swap3A = arith.constant 0 : index
      %swap3A_12 = arith.constant 0 : index
      %swap3A_13 = vector.load %arg7[%swap3A, %swap3A_12] : memref<1x8xi32, #tpu.memory_space<vmem>>, vector<1x8xi32>
      tpu.vector_store %arg7[%swap3A, %swap3A_12], %broadcast_in_dim3A_11 {strides = array<i32>} : memref<1x8xi32, #tpu.memory_space<vmem>>, vector<1x8xi32>,
    } else {
    }
    %lt3A = arith.constant 4 : i32
    %lt3A_2 = arith.cmpi slt, %arg0, %lt3A : i32
    %convert_element_type3A_3 = arith.extui %lt3A_2 : i1 to i32
    %cond3A_4 = arith.constant 0 : i32
    %cond3A_5 = arith.cmpi ne, %convert_element_type3A_3, %cond3A_4 : i32
    scf.if %cond3A_5 {
      %get3A = arith.constant 0 : index
      %get3A_11 = arith.constant 0 : index
      %get3A_12 = vector.load %arg1[%get3A, %get3A_11] : memref<512x768xf32, #tpu.memory_space<vmem>>, vector<512x768xf32>
      %broadcast_in_dim3A = arith.constant 0x7F800000 : f32
      %broadcast_in_dim3A_13 = vector.broadcast %broadcast_in_dim3A : f32 to vector<512x1xf32>
      %broadcast_in_dim3A_14 = arith.constant 0 : i32
      %broadcast_in_dim3A_15 = vector.broadcast %broadcast_in_dim3A_14 : i32 to vector<512x1xi32>
      %get3A_16 = arith.constant 0 : index
      %get3A_17 = arith.constant 0 : index
      %get3A_18 = vector.load %arg2[%get3A_16, %get3A_17] : memref<8x768xf32, #tpu.memory_space<vmem>>, vector<1x768xf32>
      %sub3A = vector.broadcast %get3A_18 : vector<1x768xf32> to vector<512x768xf32>
      %sub3A_19 = arith.subf %get3A_12, %sub3A : vector<512x768xf32>
      %mul3A = arith.mulf %sub3A_19, %sub3A_19 : vector<512x768xf32>
      %reduce_sum3A = arith.constant dense<0.000000e+00> : vector<512xf32>
      %reduce_sum3A_20 = vector.multi_reduction <add>, %mul3A, %reduce_sum3A [1] : vector<512x768xf32> to vector<512xf32>
      %broadcast_in_dim3A_21 = vector.shape_cast %reduce_sum3A_20 : vector<512xf32> to vector<512x1xf32>
      %lt3A_22 = arith.cmpf olt, %broadcast_in_dim3A_21, %broadcast_in_dim3A_13 : vector<512x1xf32>
      %jit3A = arith.constant 0 : i32
      %broadcast_in_dim3A_23 = vector.broadcast %jit3A : i32 to vector<512x1xi32>
      %select_n3A = arith.select %lt3A_22, %broadcast_in_dim3A_23, %broadcast_in_dim3A_15 : vector<512x1xi1>, vector<512x1xi32>
      %select_n3A_24 = arith.select %lt3A_22, %broadcast_in_dim3A_21, %broadcast_in_dim3A_13 : vector<512x1xi1>, vector<512x1xf32>
      %get3A_25 = arith.constant 1 : index
      %get3A_26 = arith.constant 0 : index
      %get3A_27 = vector.load %arg2[%get3A_25, %get3A_26] : memref<8x768xf32, #tpu.memory_space<vmem>>, vector<1x768xf32>
      %sub3A_28 = vector.broadcast %get3A_27 : vector<1x768xf32> to vector<512x768xf32>
      %sub3A_29 = arith.subf %get3A_12, %sub3A_28 : vector<512x768xf32>
      %mul3A_30 = arith.mulf %sub3A_29, %sub3A_29 : vector<512x768xf32>
      %reduce_sum3A_31 = arith.constant dense<0.000000e+00> : vector<512xf32>
      %reduce_sum3A_32 = vector.multi_reduction <add>, %mul3A_30, %reduce_sum3A_31 [1] : vector<512x768xf32> to vector<512xf32>
      %broadcast_in_dim3A_33 = vector.shape_cast %reduce_sum3A_32 : vector<512xf32> to vector<512x1xf32>
      %lt3A_34 = arith.cmpf olt, %broadcast_in_dim3A_33, %select_n3A_24 : vector<512x1xf32>
      %jit3A_35 = arith.constant 1 : i32
      %broadcast_in_dim3A_36 = vector.broadcast %jit3A_35 : i32 to vector<512x1xi32>
      %select_n3A_37 = arith.select %lt3A_34, %broadcast_in_dim3A_36, %select_n3A : vector<512x1xi1>, vector<512x1xi32>
      %select_n3A_38 = arith.select %lt3A_34, %broadcast_in_dim3A_33, %select_n3A_24 : vector<512x1xi1>, vector<512x1xf32>
      %get3A_39 = arith.constant 2 : index
      %get3A_40 = arith.constant 0 : index
      %get3A_41 = vector.load %arg2[%get3A_39, %get3A_40] : memref<8x768xf32, #tpu.memory_space<vmem>>, vector<1x768xf32>
      %sub3A_42 = vector.broadcast %get3A_41 : vector<1x768xf32> to vector<512x768xf32>
      %sub3A_43 = arith.subf %get3A_12, %sub3A_42 : vector<512x768xf32>
      %mul3A_44 = arith.mulf %sub3A_43, %sub3A_43 : vector<512x768xf32>
      %reduce_sum3A_45 = arith.constant dense<0.000000e+00> : vector<512xf32>
      %reduce_sum3A_46 = vector.multi_reduction <add>, %mul3A_44, %reduce_sum3A_45 [1] : vector<512x768xf32> to vector<512xf32>
      %broadcast_in_dim3A_47 = vector.shape_cast %reduce_sum3A_46 : vector<512xf32> to vector<512x1xf32>
      %lt3A_48 = arith.cmpf olt, %broadcast_in_dim3A_47, %select_n3A_38 : vector<512x1xf32>
      %jit3A_49 = arith.constant 2 : i32
      %broadcast_in_dim3A_50 = vector.broadcast %jit3A_49 : i32 to vector<512x1xi32>
      %select_n3A_51 = arith.select %lt3A_48, %broadcast_in_dim3A_50, %select_n3A_37 : vector<512x1xi1>, vector<512x1xi32>
      %select_n3A_52 = arith.select %lt3A_48, %broadcast_in_dim3A_47, %select_n3A_38 : vector<512x1xi1>, vector<512x1xf32>
      %get3A_53 = arith.constant 3 : index
      %get3A_54 = arith.constant 0 : index
      %get3A_55 = vector.load %arg2[%get3A_53, %get3A_54] : memref<8x768xf32, #tpu.memory_space<vmem>>, vector<1x768xf32>
      %sub3A_56 = vector.broadcast %get3A_55 : vector<1x768xf32> to vector<512x768xf32>
      %sub3A_57 = arith.subf %get3A_12, %sub3A_56 : vector<512x768xf32>
      %mul3A_58 = arith.mulf %sub3A_57, %sub3A_57 : vector<512x768xf32>
      %reduce_sum3A_59 = arith.constant dense<0.000000e+00> : vector<512xf32>
      %reduce_sum3A_60 = vector.multi_reduction <add>, %mul3A_58, %reduce_sum3A_59 [1] : vector<512x768xf32> to vector<512xf32>
      %broadcast_in_dim3A_61 = vector.shape_cast %reduce_sum3A_60 : vector<512xf32> to vector<512x1xf32>
      %lt3A_62 = arith.cmpf olt, %broadcast_in_dim3A_61, %select_n3A_52 : vector<512x1xf32>
      %jit3A_63 = arith.constant 3 : i32
      %broadcast_in_dim3A_64 = vector.broadcast %jit3A_63 : i32 to vector<512x1xi32>
      %select_n3A_65 = arith.select %lt3A_62, %broadcast_in_dim3A_64, %select_n3A_51 : vector<512x1xi1>, vector<512x1xi32>
      %select_n3A_66 = arith.select %lt3A_62, %broadcast_in_dim3A_61, %select_n3A_52 : vector<512x1xi1>, vector<512x1xf32>
      %get3A_67 = arith.constant 4 : index
      %get3A_68 = arith.constant 0 : index
      %get3A_69 = vector.load %arg2[%get3A_67, %get3A_68] : memref<8x768xf32, #tpu.memory_space<vmem>>, vector<1x768xf32>
      %sub3A_70 = vector.broadcast %get3A_69 : vector<1x768xf32> to vector<512x768xf32>
      %sub3A_71 = arith.subf %get3A_12, %sub3A_70 : vector<512x768xf32>
      %mul3A_72 = arith.mulf %sub3A_71, %sub3A_71 : vector<512x768xf32>
      %reduce_sum3A_73 = arith.constant dense<0.000000e+00> : vector<512xf32>
      %reduce_sum3A_74 = vector.multi_reduction <add>, %mul3A_72, %reduce_sum3A_73 [1] : vector<512x768xf32> to vector<512xf32>
      %broadcast_in_dim3A_75 = vector.shape_cast %reduce_sum3A_74 : vector<512xf32> to vector<512x1xf32>
      %lt3A_76 = arith.cmpf olt, %broadcast_in_dim3A_75, %select_n3A_66 : vector<512x1xf32>
      %jit3A_77 = arith.constant 4 : i32
      %broadcast_in_dim3A_78 = vector.broadcast %jit3A_77 : i32 to vector<512x1xi32>
      %select_n3A_79 = arith.select %lt3A_76, %broadcast_in_dim3A_78, %select_n3A_65 : vector<512x1xi1>, vector<512x1xi32>
      %select_n3A_80 = arith.select %lt3A_76, %broadcast_in_dim3A_75, %select_n3A_66 : vector<512x1xi1>, vector<512x1xf32>
      %get3A_81 = arith.constant 5 : index
      %get3A_82 = arith.constant 0 : index
      %get3A_83 = vector.load %arg2[%get3A_81, %get3A_82] : memref<8x768xf32, #tpu.memory_space<vmem>>, vector<1x768xf32>
      %sub3A_84 = vector.broadcast %get3A_83 : vector<1x768xf32> to vector<512x768xf32>
      %sub3A_85 = arith.subf %get3A_12, %sub3A_84 : vector<512x768xf32>
      %mul3A_86 = arith.mulf %sub3A_85, %sub3A_85 : vector<512x768xf32>
      %reduce_sum3A_87 = arith.constant dense<0.000000e+00> : vector<512xf32>
      %reduce_sum3A_88 = vector.multi_reduction <add>, %mul3A_86, %reduce_sum3A_87 [1] : vector<512x768xf32> to vector<512xf32>
      %broadcast_in_dim3A_89 = vector.shape_cast %reduce_sum3A_88 : vector<512xf32> to vector<512x1xf32>
      %lt3A_90 = arith.cmpf olt, %broadcast_in_dim3A_89, %select_n3A_80 : vector<512x1xf32>
      %jit3A_91 = arith.constant 5 : i32
      %broadcast_in_dim3A_92 = vector.broadcast %jit3A_91 : i32 to vector<512x1xi32>
      %select_n3A_93 = arith.select %lt3A_90, %broadcast_in_dim3A_92, %select_n3A_79 : vector<512x1xi1>, vector<512x1xi32>
      %select_n3A_94 = arith.select %lt3A_90, %broadcast_in_dim3A_89, %select_n3A_80 : vector<512x1xi1>, vector<512x1xf32>
      %get3A_95 = arith.constant 6 : index
      %get3A_96 = arith.constant 0 : index
      %get3A_97 = vector.load %arg2[%get3A_95, %get3A_96] : memref<8x768xf32, #tpu.memory_space<vmem>>, vector<1x768xf32>
      %sub3A_98 = vector.broadcast %get3A_97 : vector<1x768xf32> to vector<512x768xf32>
      %sub3A_99 = arith.subf %get3A_12, %sub3A_98 : vector<512x768xf32>
      %mul3A_100 = arith.mulf %sub3A_99, %sub3A_99 : vector<512x768xf32>
      %reduce_sum3A_101 = arith.constant dense<0.000000e+00> : vector<512xf32>
      %reduce_sum3A_102 = vector.multi_reduction <add>, %mul3A_100, %reduce_sum3A_101 [1] : vector<512x768xf32> to vector<512xf32>
      %broadcast_in_dim3A_103 = vector.shape_cast %reduce_sum3A_102 : vector<512xf32> to vector<512x1xf32>
      %lt3A_104 = arith.cmpf olt, %broadcast_in_dim3A_103, %select_n3A_94 : vector<512x1xf32>
      %jit3A_105 = arith.constant 6 : i32
      %broadcast_in_dim3A_106 = vector.broadcast %jit3A_105 : i32 to vector<512x1xi32>
      %select_n3A_107 = arith.select %lt3A_104, %broadcast_in_dim3A_106, %select_n3A_93 : vector<512x1xi1>, vector<512x1xi32>
      %select_n3A_108 = arith.select %lt3A_104, %broadcast_in_dim3A_103, %select_n3A_94 : vector<512x1xi1>, vector<512x1xf32>
      %get3A_109 = arith.constant 7 : index
      %get3A_110 = arith.constant 0 : index
      %get3A_111 = vector.load %arg2[%get3A_109, %get3A_110] : memref<8x768xf32, #tpu.memory_space<vmem>>, vector<1x768xf32>
      %sub3A_112 = vector.broadcast %get3A_111 : vector<1x768xf32> to vector<512x768xf32>
      %sub3A_113 = arith.subf %get3A_12, %sub3A_112 : vector<512x768xf32>
      %mul3A_114 = arith.mulf %sub3A_113, %sub3A_113 : vector<512x768xf32>
      %reduce_sum3A_115 = arith.constant dense<0.000000e+00> : vector<512xf32>
      %reduce_sum3A_116 = vector.multi_reduction <add>, %mul3A_114, %reduce_sum3A_115 [1] : vector<512x768xf32> to vector<512xf32>
      %broadcast_in_dim3A_117 = vector.shape_cast %reduce_sum3A_116 : vector<512xf32> to vector<512x1xf32>
      %lt3A_118 = arith.cmpf olt, %broadcast_in_dim3A_117, %select_n3A_108 : vector<512x1xf32>
      %jit3A_119 = arith.constant 7 : i32
      %broadcast_in_dim3A_120 = vector.broadcast %jit3A_119 : i32 to vector<512x1xi32>
      %select_n3A_121 = arith.select %lt3A_118, %broadcast_in_dim3A_120, %select_n3A_107 : vector<512x1xi1>, vector<512x1xi32>
      %iota3A = tpu.iota {dimensions = array<i32: 1>} : vector<512x8xi32>
      %eq3A_122 = vector.broadcast %select_n3A_121 : vector<512x1xi32> to vector<512x8xi32>
      %eq3A_123 = arith.cmpi eq, %eq3A_122, %iota3A : vector<512x8xi32>
      %convert_element_type3A_124 = arith.extui %eq3A_123 : vector<512x8xi1> to vector<512x8xi32>
      %broadcast_in_dim3A_125 = arith.constant 0 : i32
      %broadcast_in_dim3A_126 = vector.broadcast %broadcast_in_dim3A_125 : i32 to vector<1x8xi32>
      %slice3A = vector.extract_strided_slice %convert_element_type3A_124 {offsets = [0, 0], sizes = [511, 8], strides = [1, 1]} : vector<512x8xi32> to vector<511x8xi32>
      %concatenate3A = tpu.concatenate %broadcast_in_dim3A_126, %slice3A in 0 : vector<1x8xi32>, vector<511x8xi32> -> vector<512x8xi32>
      %add3A = arith.addi %convert_element_type3A_124, %concatenate3A : vector<512x8xi32>
      %broadcast_in_dim3A_127 = arith.constant 0 : i32
      %broadcast_in_dim3A_128 = vector.broadcast %broadcast_in_dim3A_127 : i32 to vector<2x8xi32>
      %slice3A_129 = vector.extract_strided_slice %add3A {offsets = [0, 0], sizes = [510, 8], strides = [1, 1]} : vector<512x8xi32> to vector<510x8xi32>
      %concatenate3A_130 = tpu.concatenate %broadcast_in_dim3A_128, %slice3A_129 in 0 : vector<2x8xi32>, vector<510x8xi32> -> vector<512x8xi32>
      %add3A_131 = arith.addi %add3A, %concatenate3A_130 : vector<512x8xi32>
      %broadcast_in_dim3A_132 = arith.constant 0 : i32
      %broadcast_in_dim3A_133 = vector.broadcast %broadcast_in_dim3A_132 : i32 to vector<4x8xi32>
      %slice3A_134 = vector.extract_strided_slice %add3A_131 {offsets = [0, 0], sizes = [508, 8], strides = [1, 1]} : vector<512x8xi32> to vector<508x8xi32>
      %concatenate3A_135 = tpu.concatenate %broadcast_in_dim3A_133, %slice3A_134 in 0 : vector<4x8xi32>, vector<508x8xi32> -> vector<512x8xi32>
      %add3A_136 = arith.addi %add3A_131, %concatenate3A_135 : vector<512x8xi32>
      %broadcast_in_dim3A_137 = arith.constant 0 : i32
      %broadcast_in_dim3A_138 = vector.broadcast %broadcast_in_dim3A_137 : i32 to vector<8x8xi32>
      %slice3A_139 = vector.extract_strided_slice %add3A_136 {offsets = [0, 0], sizes = [504, 8], strides = [1, 1]} : vector<512x8xi32> to vector<504x8xi32>
      %concatenate3A_140 = tpu.concatenate %broadcast_in_dim3A_138, %slice3A_139 in 0 : vector<8x8xi32>, vector<504x8xi32> -> vector<512x8xi32>
      %add3A_141 = arith.addi %add3A_136, %concatenate3A_140 : vector<512x8xi32>
      %broadcast_in_dim3A_142 = arith.constant 0 : i32
      %broadcast_in_dim3A_143 = vector.broadcast %broadcast_in_dim3A_142 : i32 to vector<16x8xi32>
      %slice3A_144 = vector.extract_strided_slice %add3A_141 {offsets = [0, 0], sizes = [496, 8], strides = [1, 1]} : vector<512x8xi32> to vector<496x8xi32>
      %concatenate3A_145 = tpu.concatenate %broadcast_in_dim3A_143, %slice3A_144 in 0 : vector<16x8xi32>, vector<496x8xi32> -> vector<512x8xi32>
      %add3A_146 = arith.addi %add3A_141, %concatenate3A_145 : vector<512x8xi32>
      %broadcast_in_dim3A_147 = arith.constant 0 : i32
      %broadcast_in_dim3A_148 = vector.broadcast %broadcast_in_dim3A_147 : i32 to vector<32x8xi32>
      %slice3A_149 = vector.extract_strided_slice %add3A_146 {offsets = [0, 0], sizes = [480, 8], strides = [1, 1]} : vector<512x8xi32> to vector<480x8xi32>
      %concatenate3A_150 = tpu.concatenate %broadcast_in_dim3A_148, %slice3A_149 in 0 : vector<32x8xi32>, vector<480x8xi32> -> vector<512x8xi32>
      %add3A_151 = arith.addi %add3A_146, %concatenate3A_150 : vector<512x8xi32>
      %broadcast_in_dim3A_152 = arith.constant 0 : i32
      %broadcast_in_dim3A_153 = vector.broadcast %broadcast_in_dim3A_152 : i32 to vector<64x8xi32>
      %slice3A_154 = vector.extract_strided_slice %add3A_151 {offsets = [0, 0], sizes = [448, 8], strides = [1, 1]} : vector<512x8xi32> to vector<448x8xi32>
      %concatenate3A_155 = tpu.concatenate %broadcast_in_dim3A_153, %slice3A_154 in 0 : vector<64x8xi32>, vector<448x8xi32> -> vector<512x8xi32>
      %add3A_156 = arith.addi %add3A_151, %concatenate3A_155 : vector<512x8xi32>
      %broadcast_in_dim3A_157 = arith.constant 0 : i32
      %broadcast_in_dim3A_158 = vector.broadcast %broadcast_in_dim3A_157 : i32 to vector<128x8xi32>
      %slice3A_159 = vector.extract_strided_slice %add3A_156 {offsets = [0, 0], sizes = [384, 8], strides = [1, 1]} : vector<512x8xi32> to vector<384x8xi32>
      %concatenate3A_160 = tpu.concatenate %broadcast_in_dim3A_158, %slice3A_159 in 0 : vector<128x8xi32>, vector<384x8xi32> -> vector<512x8xi32>
      %add3A_161 = arith.addi %add3A_156, %concatenate3A_160 : vector<512x8xi32>
      %broadcast_in_dim3A_162 = arith.constant 0 : i32
      %broadcast_in_dim3A_163 = vector.broadcast %broadcast_in_dim3A_162 : i32 to vector<256x8xi32>
      %slice3A_164 = vector.extract_strided_slice %add3A_161 {offsets = [0, 0], sizes = [256, 8], strides = [1, 1]} : vector<512x8xi32> to vector<256x8xi32>
      %concatenate3A_165 = tpu.concatenate %broadcast_in_dim3A_163, %slice3A_164 in 0 : vector<256x8xi32>, vector<256x8xi32> -> vector<512x8xi32>
      %add3A_166 = arith.addi %add3A_161, %concatenate3A_165 : vector<512x8xi32>
      %get3A_167 = arith.constant 0 : index
      %get3A_168 = arith.constant 0 : index
      %get3A_169 = vector.load %arg7[%get3A_167, %get3A_168] : memref<1x8xi32, #tpu.memory_space<vmem>>, vector<1x8xi32>
      %add3A_170 = vector.broadcast %get3A_169 : vector<1x8xi32> to vector<512x8xi32>
      %add3A_171 = arith.addi %add3A_170, %add3A_166 : vector<512x8xi32>
      %sub3A_172 = arith.subi %add3A_171, %convert_element_type3A_124 : vector<512x8xi32>
      %mul3A_173 = arith.muli %convert_element_type3A_124, %sub3A_172 : vector<512x8xi32>
      %reduce_sum3A_174 = arith.constant dense<0> : vector<512xi32>
      %reduce_sum3A_175 = vector.multi_reduction <add>, %mul3A_173, %reduce_sum3A_174 [1] : vector<512x8xi32> to vector<512xi32>
      %broadcast_in_dim3A_176 = vector.shape_cast %reduce_sum3A_175 : vector<512xi32> to vector<512x1xi32>
      %mul3A_177 = arith.constant 512 : i32
      %mul3A_178 = arith.muli %arg0, %mul3A_177 : i32
      %swap3A = arith.index_cast %mul3A_178 : i32 to index
      %swap3A_179 = arith.constant 0 : index
      %swap3A_180 = vector.load %arg5[%swap3A, %swap3A_179] : memref<2048x1xi32, #tpu.memory_space<vmem>>, vector<512x1xi32>
      tpu.vector_store %arg5[%swap3A, %swap3A_179], %select_n3A_121 {strides = array<i32>} : memref<2048x1xi32, #tpu.memory_space<vmem>>, vector<512x1xi32>,
      %mul3A_181 = arith.constant 512 : i32
      %mul3A_182 = arith.muli %arg0, %mul3A_181 : i32
      %swap3A_183 = arith.index_cast %mul3A_182 : i32 to index
      %swap3A_184 = arith.constant 0 : index
      %swap3A_185 = vector.load %arg6[%swap3A_183, %swap3A_184] : memref<2048x1xi32, #tpu.memory_space<vmem>>, vector<512x1xi32>
      tpu.vector_store %arg6[%swap3A_183, %swap3A_184], %broadcast_in_dim3A_176 {strides = array<i32>} : memref<2048x1xi32, #tpu.memory_space<vmem>>, vector<512x1xi32>,
      %slice3A_186 = vector.extract_strided_slice %add3A_166 {offsets = [511, 0], sizes = [1, 8], strides = [1, 1]} : vector<512x8xi32> to vector<1x8xi32>
      %add3A_187 = arith.addi %get3A_169, %slice3A_186 : vector<1x8xi32>
      %swap3A_188 = arith.constant 0 : index
      %swap3A_189 = arith.constant 0 : index
      %swap3A_190 = vector.load %arg7[%swap3A_188, %swap3A_189] : memref<1x8xi32, #tpu.memory_space<vmem>>, vector<1x8xi32>
      tpu.vector_store %arg7[%swap3A_188, %swap3A_189], %add3A_187 {strides = array<i32>} : memref<1x8xi32, #tpu.memory_space<vmem>>, vector<1x8xi32>,
    } else {
    }
    %eq3A_6 = arith.constant 4 : i32
    %eq3A_7 = arith.cmpi eq, %arg0, %eq3A_6 : i32
    %convert_element_type3A_8 = arith.extui %eq3A_7 : i1 to i32
    %cond3A_9 = arith.constant 0 : i32
    %cond3A_10 = arith.cmpi ne, %convert_element_type3A_8, %cond3A_9 : i32
    scf.if %cond3A_10 {
      %get3A = arith.constant 0 : index
      %get3A_11 = arith.constant 0 : index
      %get3A_12 = vector.load %arg7[%get3A, %get3A_11] : memref<1x8xi32, #tpu.memory_space<vmem>>, vector<1x8xi32>
      %add3A = arith.constant 255 : i32
      %add3A_13 = vector.broadcast %add3A : i32 to vector<1x8xi32>
      %add3A_14 = arith.addi %get3A_12, %add3A_13 : vector<1x8xi32>
      %jit3A = arith.constant 256 : i32
      %div3A = vector.broadcast %jit3A : i32 to vector<1x8xi32>
      %div3A_15 = arith.divsi %add3A_14, %div3A : vector<1x8xi32>
      %sign3A = arith.constant 0 : i32
      %sign3A_16 = vector.broadcast %sign3A : i32 to vector<1x8xi32>
      %sign3A_17 = arith.cmpi sgt, %add3A_14, %sign3A_16 : vector<1x8xi32>
      %sign3A_18 = arith.extui %sign3A_17 : vector<1x8xi1> to vector<1x8xi32>
      %sign3A_19 = arith.constant 0 : i32
      %sign3A_20 = vector.broadcast %sign3A_19 : i32 to vector<1x8xi32>
      %sign3A_21 = arith.cmpi slt, %add3A_14, %sign3A_20 : vector<1x8xi32>
      %sign3A_22 = arith.extui %sign3A_21 : vector<1x8xi1> to vector<1x8xi32>
      %sign3A_23 = arith.subi %sign3A_18, %sign3A_22 : vector<1x8xi32>
      %sign3A_24 = arith.constant 0 : i32
      %sign3A_25 = arith.cmpi sgt, %jit3A, %sign3A_24 : i32
      %sign3A_26 = arith.extui %sign3A_25 : i1 to i32
      %sign3A_27 = arith.constant 0 : i32
      %sign3A_28 = arith.cmpi slt, %jit3A, %sign3A_27 : i32
      %sign3A_29 = arith.extui %sign3A_28 : i1 to i32
      %sign3A_30 = arith.subi %sign3A_26, %sign3A_29 : i32
      %ne3A = vector.broadcast %sign3A_30 : i32 to vector<1x8xi32>
      %ne3A_31 = arith.cmpi ne, %sign3A_23, %ne3A : vector<1x8xi32>
      %rem3A = vector.broadcast %jit3A : i32 to vector<1x8xi32>
      %rem3A_32 = arith.remsi %add3A_14, %rem3A : vector<1x8xi32>
      %ne3A_33 = arith.constant 0 : i32
      %ne3A_34 = vector.broadcast %ne3A_33 : i32 to vector<1x8xi32>
      %ne3A_35 = arith.cmpi ne, %rem3A_32, %ne3A_34 : vector<1x8xi32>
      %and3A = arith.andi %ne3A_31, %ne3A_35 : vector<1x8xi1>
      %sub3A = arith.constant 1 : i32
      %sub3A_36 = vector.broadcast %sub3A : i32 to vector<1x8xi32>
      %sub3A_37 = arith.subi %div3A_15, %sub3A_36 : vector<1x8xi32>
      %select_n3A = arith.select %and3A, %sub3A_37, %div3A_15 : vector<1x8xi1>, vector<1x8xi32>
      %mul3A = arith.constant 256 : i32
      %mul3A_38 = vector.broadcast %mul3A : i32 to vector<1x8xi32>
      %mul3A_39 = arith.muli %select_n3A, %mul3A_38 : vector<1x8xi32>
      %convert_element_type3A_40 = arith.sitofp %mul3A_39 : vector<1x8xi32> to vector<1x8xf32>
      %broadcast_in_dim3A = vector.shape_cast %convert_element_type3A_40 : vector<1x8xf32> to vector<1x8xf32>
      %broadcast_in_dim3A_41 = vector.broadcast %broadcast_in_dim3A : vector<1x8xf32> to vector<8x8xf32>
      %iota3A = tpu.iota {dimensions = array<i32: 0>} : vector<8x8xi32>
      %iota3A_42 = tpu.iota {dimensions = array<i32: 1>} : vector<8x8xi32>
      %lt3A_43 = arith.cmpi slt, %iota3A, %iota3A_42 : vector<8x8xi32>
      %convert_element_type3A_44 = arith.extui %lt3A_43 : vector<8x8xi1> to vector<8x8xi32>
      %convert_element_type3A_45 = arith.sitofp %convert_element_type3A_44 : vector<8x8xi32> to vector<8x8xf32>
      %dot_general3A = arith.constant dense<0.000000e+00> : vector<8x8xf32>
      %dot_general3A_46 = tpu.matmul %broadcast_in_dim3A_41, %convert_element_type3A_45, %dot_general3A {dimension_numbers = #tpu.dot_dimension_numbers<[1], [0], [0], [1], [0, 0, 1, 1], [], []>, transpose_lhs_hint = false} : vector<8x8xf32>, vector<8x8xf32>, vector<8x8xf32> -> vector<8x8xf32>
      %slice3A = vector.extract_strided_slice %dot_general3A_46 {offsets = [0, 0], sizes = [1, 8], strides = [1, 1]} : vector<8x8xf32> to vector<1x8xf32>
      %convert_element_type3A_47 = arith.fptosi %slice3A : vector<1x8xf32> to vector<1x8xi32>
      %iota3A_48 = tpu.iota {dimensions = array<i32: 1>} : vector<2048x8xi32>
      %get3A_49 = arith.constant 0 : index
      %get3A_50 = arith.constant 0 : index
      %get3A_51 = vector.load %arg5[%get3A_49, %get3A_50] : memref<2048x1xi32, #tpu.memory_space<vmem>>, vector<2048x1xi32>
      %eq3A_52 = vector.broadcast %get3A_51 : vector<2048x1xi32> to vector<2048x8xi32>
      %eq3A_53 = arith.cmpi eq, %eq3A_52, %iota3A_48 : vector<2048x8xi32>
      %convert_element_type3A_54 = arith.extui %eq3A_53 : vector<2048x8xi1> to vector<2048x8xi32>
      %mul3A_55 = vector.broadcast %convert_element_type3A_47 : vector<1x8xi32> to vector<2048x8xi32>
      %mul3A_56 = arith.muli %convert_element_type3A_54, %mul3A_55 : vector<2048x8xi32>
      %reduce_sum3A = arith.constant dense<0> : vector<2048xi32>
      %reduce_sum3A_57 = vector.multi_reduction <add>, %mul3A_56, %reduce_sum3A [1] : vector<2048x8xi32> to vector<2048xi32>
      %get3A_58 = arith.constant 0 : index
      %get3A_59 = arith.constant 0 : index
      %get3A_60 = vector.load %arg6[%get3A_58, %get3A_59] : memref<2048x1xi32, #tpu.memory_space<vmem>>, vector<2048x1xi32>
      %squeeze3A = vector.shape_cast %get3A_60 : vector<2048x1xi32> to vector<2048xi32>
      %add3A_61 = arith.addi %reduce_sum3A_57, %squeeze3A : vector<2048xi32>
      %swap3A = arith.constant 0 : index
      %swap3A_62 = vector.load %arg3[%swap3A] : memref<2048xi32, #tpu.memory_space<vmem>>, vector<2048xi32>
      tpu.vector_store %arg3[%swap3A], %add3A_61 {strides = array<i32>} : memref<2048xi32, #tpu.memory_space<vmem>>, vector<2048xi32>,
      %iota3A_63 = tpu.iota {dimensions = array<i32: 0>} : vector<16x8xi32>
      %mul3A_64 = arith.constant 256 : i32
      %mul3A_65 = vector.broadcast %mul3A_64 : i32 to vector<16x8xi32>
      %mul3A_66 = arith.muli %iota3A_63, %mul3A_65 : vector<16x8xi32>
      %broadcast_in_dim3A_67 = vector.shape_cast %convert_element_type3A_47 : vector<1x8xi32> to vector<1x8xi32>
      %broadcast_in_dim3A_68 = vector.broadcast %broadcast_in_dim3A_67 : vector<1x8xi32> to vector<16x8xi32>
      %ge3A = arith.cmpi sge, %mul3A_66, %broadcast_in_dim3A_68 : vector<16x8xi32>
      %convert_element_type3A_69 = arith.extui %ge3A : vector<16x8xi1> to vector<16x8xi32>
      %reduce_sum3A_70 = arith.constant dense<0> : vector<16xi32>
      %reduce_sum3A_71 = vector.multi_reduction <add>, %convert_element_type3A_69, %reduce_sum3A_70 [1] : vector<16x8xi32> to vector<16xi32>
      %sub3A_72 = arith.constant 1 : i32
      %sub3A_73 = vector.broadcast %sub3A_72 : i32 to vector<16xi32>
      %sub3A_74 = arith.subi %reduce_sum3A_71, %sub3A_73 : vector<16xi32>
      %reduce_sum3A_75 = vector.shape_cast %mul3A_39 : vector<1x8xi32> to vector<1x1x8xi32>
      %reduce_sum3A_76 = arith.constant dense<0> : vector<1xi32>
      %reduce_sum3A_77 = vector.multi_reduction <add>, %reduce_sum3A_75, %reduce_sum3A_76 [1, 2] : vector<1x1x8xi32> to vector<1xi32>
      %reduce_sum3A_78 = vector.shape_cast %reduce_sum3A_77 : vector<1xi32> to vector<1x1x1xi32>
      %reduce_sum3A_79 = vector.extract %reduce_sum3A_78[0, 0, 0] : i32 from vector<1x1x1xi32>
      %iota3A_80 = tpu.iota {dimensions = array<i32: 1>} : vector<1x16xi32>
      %iota3A_81 = vector.shape_cast %iota3A_80 : vector<1x16xi32> to vector<16xi32>
      %mul3A_82 = arith.constant 256 : i32
      %mul3A_83 = vector.broadcast %mul3A_82 : i32 to vector<16xi32>
      %mul3A_84 = arith.muli %iota3A_81, %mul3A_83 : vector<16xi32>
      %lt3A_85 = vector.broadcast %reduce_sum3A_79 : i32 to vector<16xi32>
      %lt3A_86 = arith.cmpi slt, %mul3A_84, %lt3A_85 : vector<16xi32>
      %jit3A_87 = arith.constant -1 : i32
      %broadcast_in_dim3A_88 = vector.broadcast %jit3A_87 : i32 to vector<16xi32>
      %select_n3A_89 = arith.select %lt3A_86, %sub3A_74, %broadcast_in_dim3A_88 : vector<16xi1>, vector<16xi32>
      %swap3A_90 = arith.constant 0 : index
      %swap3A_91 = vector.load %arg4[%swap3A_90] : memref<16xi32, #tpu.memory_space<vmem>>, vector<16xi32>
      tpu.vector_store %arg4[%swap3A_90], %select_n3A_89 {strides = array<i32>} : memref<16xi32, #tpu.memory_space<vmem>>, vector<16xi32>,
    } else {
    }
    return
  }
  func.func @transform_0(%arg0: i32) -> (i32, i32) {
    %min3A = arith.constant 3 : i32
    %min3A_0 = arith.minsi %arg0, %min3A : i32
    %c0_i32 = arith.constant 0 : i32
    %c0_i32_1 = arith.constant 0 : i32
    return %min3A_0, %c0_i32 : i32, i32
  }
  func.func @transform_1(%arg0: i32) -> (i32, i32) {
    %c0_i32 = arith.constant 0 : i32
    %c0_i32_0 = arith.constant 0 : i32
    %c0_i32_1 = arith.constant 0 : i32
    return %c0_i32, %c0_i32_0 : i32, i32
  }
  func.func @transform_2(%arg0: i32) -> i32 {
    %c0_i32 = arith.constant 0 : i32
    %c0_i32_0 = arith.constant 0 : i32
    return %c0_i32 : i32
  }
  func.func @transform_3(%arg0: i32) -> i32 {
    %c0_i32 = arith.constant 0 : i32
    %c0_i32_0 = arith.constant 0 : i32
    return %c0_i32 : i32
  }
}

module attributes {stable_mosaic.version = 14 : i64} {
  func.func @_ae_body(%arg0: i32, %arg1: i32, %arg2: memref<16xi32, #tpu.memory_space<smem>>, %arg3: memref<256x768xf32, #tpu.memory_space<vmem>>, %arg4: memref<1x1x768xf32, #tpu.memory_space<vmem>>, %arg5: memref<1x768x256xf32, #tpu.memory_space<vmem>>, %arg6: memref<1x1x256xf32, #tpu.memory_space<vmem>>, %arg7: memref<1x256x768xf32, #tpu.memory_space<vmem>>, %arg8: memref<1x1x768xf32, #tpu.memory_space<vmem>>, %arg9: memref<256x768xf32, #tpu.memory_space<vmem>>) attributes {dimension_semantics = [#tpu.dimension_semantics<parallel>, #tpu.dimension_semantics<arbitrary>], iteration_bounds = array<i64: 2, 8>, scalar_prefetch = 1 : i64, scratch_operands = 0 : i64, tpu.core_type = #tpu.core_type<tc>, window_params = [{transform_indices = @transform_0, window_bounds = array<i64: 256, 768>}, {transform_indices = @transform_1, window_bounds = array<i64: 1, 1, 768>}, {transform_indices = @transform_2, window_bounds = array<i64: 1, 768, 256>}, {transform_indices = @transform_3, window_bounds = array<i64: 1, 1, 256>}, {transform_indices = @transform_4, window_bounds = array<i64: 1, 256, 768>}, {transform_indices = @transform_5, window_bounds = array<i64: 1, 1, 768>}, {transform_indices = @transform_6, window_bounds = array<i64: 256, 768>}]} {
    %mul3A = arith.constant 8 : i32
    %mul3A_0 = arith.muli %arg0, %mul3A : i32
    %add3A = arith.addi %mul3A_0, %arg1 : i32
    %get3A = arith.index_cast %add3A : i32 to index
    %get3A_1 = memref.load %arg2[%get3A] : memref<16xi32, #tpu.memory_space<smem>>
    %ge3A = arith.constant 0 : i32
    %ge3A_2 = arith.cmpi sge, %get3A_1, %ge3A : i32
    %convert_element_type3A = arith.extui %ge3A_2 : i1 to i32
    %cond3A = arith.constant 0 : i32
    %cond3A_3 = arith.cmpi ne, %convert_element_type3A, %cond3A : i32
    scf.if %cond3A_3 {
      %get3A_4 = arith.constant 0 : index
      %get3A_5 = arith.constant 0 : index
      %get3A_6 = vector.load %arg3[%get3A_4, %get3A_5] : memref<256x768xf32, #tpu.memory_space<vmem>>, vector<256x768xf32>
      %get3A_7 = arith.constant 0 : index
      %get3A_8 = arith.constant 0 : index
      %get3A_9 = arith.constant 0 : index
      %get3A_10 = vector.load %arg4[%get3A_7, %get3A_8, %get3A_9] : memref<1x1x768xf32, #tpu.memory_space<vmem>>, vector<1x1x768xf32>
      %get3A_11 = vector.shape_cast %get3A_10 : vector<1x1x768xf32> to vector<1x768xf32>
      %sub3A = vector.broadcast %get3A_11 : vector<1x768xf32> to vector<256x768xf32>
      %sub3A_12 = arith.subf %get3A_6, %sub3A : vector<256x768xf32>
      %get3A_13 = arith.constant 0 : index
      %get3A_14 = arith.constant 0 : index
      %get3A_15 = arith.constant 0 : index
      %get3A_16 = vector.load %arg5[%get3A_13, %get3A_14, %get3A_15] : memref<1x768x256xf32, #tpu.memory_space<vmem>>, vector<1x768x256xf32>
      %get3A_17 = vector.shape_cast %get3A_16 : vector<1x768x256xf32> to vector<768x256xf32>
      %dot_general3A = arith.constant dense<0.000000e+00> : vector<256x256xf32>
      %dot_general3A_18 = tpu.matmul %sub3A_12, %get3A_17, %dot_general3A {dimension_numbers = #tpu.dot_dimension_numbers<[1], [0], [0], [1], [0, 0, 1, 1], [], []>, transpose_lhs_hint = false} : vector<256x768xf32>, vector<768x256xf32>, vector<256x256xf32> -> vector<256x256xf32>
      %get3A_19 = arith.constant 0 : index
      %get3A_20 = arith.constant 0 : index
      %get3A_21 = arith.constant 0 : index
      %get3A_22 = vector.load %arg6[%get3A_19, %get3A_20, %get3A_21] : memref<1x1x256xf32, #tpu.memory_space<vmem>>, vector<1x1x256xf32>
      %get3A_23 = vector.shape_cast %get3A_22 : vector<1x1x256xf32> to vector<1x256xf32>
      %add3A_24 = vector.broadcast %get3A_23 : vector<1x256xf32> to vector<256x256xf32>
      %add3A_25 = arith.addf %dot_general3A_18, %add3A_24 : vector<256x256xf32>
      %tanh3A = math.tanh %add3A_25 : vector<256x256xf32>
      %get3A_26 = arith.constant 0 : index
      %get3A_27 = arith.constant 0 : index
      %get3A_28 = arith.constant 0 : index
      %get3A_29 = vector.load %arg7[%get3A_26, %get3A_27, %get3A_28] : memref<1x256x768xf32, #tpu.memory_space<vmem>>, vector<1x256x768xf32>
      %get3A_30 = vector.shape_cast %get3A_29 : vector<1x256x768xf32> to vector<256x768xf32>
      %dot_general3A_31 = arith.constant dense<0.000000e+00> : vector<256x768xf32>
      %dot_general3A_32 = tpu.matmul %tanh3A, %get3A_30, %dot_general3A_31 {dimension_numbers = #tpu.dot_dimension_numbers<[1], [0], [0], [1], [0, 0, 1, 1], [], []>, transpose_lhs_hint = false} : vector<256x256xf32>, vector<256x768xf32>, vector<256x768xf32> -> vector<256x768xf32>
      %get3A_33 = arith.constant 0 : index
      %get3A_34 = arith.constant 0 : index
      %get3A_35 = arith.constant 0 : index
      %get3A_36 = vector.load %arg8[%get3A_33, %get3A_34, %get3A_35] : memref<1x1x768xf32, #tpu.memory_space<vmem>>, vector<1x1x768xf32>
      %get3A_37 = vector.shape_cast %get3A_36 : vector<1x1x768xf32> to vector<1x768xf32>
      %add3A_38 = vector.broadcast %get3A_37 : vector<1x768xf32> to vector<256x768xf32>
      %add3A_39 = arith.addf %dot_general3A_32, %add3A_38 : vector<256x768xf32>
      %swap3A = arith.constant 0 : index
      %swap3A_40 = arith.constant 0 : index
      %swap3A_41 = vector.load %arg9[%swap3A, %swap3A_40] : memref<256x768xf32, #tpu.memory_space<vmem>>, vector<256x768xf32>
      tpu.vector_store %arg9[%swap3A, %swap3A_40], %add3A_39 {strides = array<i32>} : memref<256x768xf32, #tpu.memory_space<vmem>>, vector<256x768xf32>,
    } else {
    }
    return
  }
  func.func @transform_0(%arg0: i32, %arg1: i32, %arg2: memref<16xi32, #tpu.memory_space<smem>>) -> (i32, i32) {
    %mul3A = arith.constant 8 : i32
    %mul3A_0 = arith.muli %arg0, %mul3A : i32
    %add3A = arith.addi %mul3A_0, %arg1 : i32
    %get3A = arith.index_cast %add3A : i32 to index
    %get3A_1 = memref.load %arg2[%get3A] : memref<16xi32, #tpu.memory_space<smem>>
    %lt3A = arith.constant 0 : i32
    %lt3A_2 = arith.cmpi slt, %get3A_1, %lt3A : i32
    %jit3A = arith.constant 0 : i32
    %select_n3A = arith.select %lt3A_2, %jit3A, %add3A : i32
    %c0_i32 = arith.constant 0 : i32
    %c0_i32_3 = arith.constant 0 : i32
    return %select_n3A, %c0_i32 : i32, i32
  }
  func.func @transform_1(%arg0: i32, %arg1: i32, %arg2: memref<16xi32, #tpu.memory_space<smem>>) -> (i32, i32, i32) {
    %mul3A = arith.constant 8 : i32
    %mul3A_0 = arith.muli %arg0, %mul3A : i32
    %add3A = arith.addi %mul3A_0, %arg1 : i32
    %get3A = arith.index_cast %add3A : i32 to index
    %get3A_1 = memref.load %arg2[%get3A] : memref<16xi32, #tpu.memory_space<smem>>
    %lt3A = arith.constant 0 : i32
    %lt3A_2 = arith.cmpi slt, %get3A_1, %lt3A : i32
    %get3A_3 = arith.index_cast %add3A : i32 to index
    %get3A_4 = memref.load %arg2[%get3A_3] : memref<16xi32, #tpu.memory_space<smem>>
    %jit3A = arith.constant 7 : i32
    %select_n3A = arith.select %lt3A_2, %jit3A, %get3A_4 : i32
    %c0_i32 = arith.constant 0 : i32
    %c0_i32_5 = arith.constant 0 : i32
    %c0_i32_6 = arith.constant 0 : i32
    return %select_n3A, %c0_i32, %c0_i32_5 : i32, i32, i32
  }
  func.func @transform_2(%arg0: i32, %arg1: i32, %arg2: memref<16xi32, #tpu.memory_space<smem>>) -> (i32, i32, i32) {
    %mul3A = arith.constant 8 : i32
    %mul3A_0 = arith.muli %arg0, %mul3A : i32
    %add3A = arith.addi %mul3A_0, %arg1 : i32
    %get3A = arith.index_cast %add3A : i32 to index
    %get3A_1 = memref.load %arg2[%get3A] : memref<16xi32, #tpu.memory_space<smem>>
    %lt3A = arith.constant 0 : i32
    %lt3A_2 = arith.cmpi slt, %get3A_1, %lt3A : i32
    %get3A_3 = arith.index_cast %add3A : i32 to index
    %get3A_4 = memref.load %arg2[%get3A_3] : memref<16xi32, #tpu.memory_space<smem>>
    %jit3A = arith.constant 7 : i32
    %select_n3A = arith.select %lt3A_2, %jit3A, %get3A_4 : i32
    %c0_i32 = arith.constant 0 : i32
    %c0_i32_5 = arith.constant 0 : i32
    %c0_i32_6 = arith.constant 0 : i32
    return %select_n3A, %c0_i32, %c0_i32_5 : i32, i32, i32
  }
  func.func @transform_3(%arg0: i32, %arg1: i32, %arg2: memref<16xi32, #tpu.memory_space<smem>>) -> (i32, i32, i32) {
    %mul3A = arith.constant 8 : i32
    %mul3A_0 = arith.muli %arg0, %mul3A : i32
    %add3A = arith.addi %mul3A_0, %arg1 : i32
    %get3A = arith.index_cast %add3A : i32 to index
    %get3A_1 = memref.load %arg2[%get3A] : memref<16xi32, #tpu.memory_space<smem>>
    %lt3A = arith.constant 0 : i32
    %lt3A_2 = arith.cmpi slt, %get3A_1, %lt3A : i32
    %get3A_3 = arith.index_cast %add3A : i32 to index
    %get3A_4 = memref.load %arg2[%get3A_3] : memref<16xi32, #tpu.memory_space<smem>>
    %jit3A = arith.constant 7 : i32
    %select_n3A = arith.select %lt3A_2, %jit3A, %get3A_4 : i32
    %c0_i32 = arith.constant 0 : i32
    %c0_i32_5 = arith.constant 0 : i32
    %c0_i32_6 = arith.constant 0 : i32
    return %select_n3A, %c0_i32, %c0_i32_5 : i32, i32, i32
  }
  func.func @transform_4(%arg0: i32, %arg1: i32, %arg2: memref<16xi32, #tpu.memory_space<smem>>) -> (i32, i32, i32) {
    %mul3A = arith.constant 8 : i32
    %mul3A_0 = arith.muli %arg0, %mul3A : i32
    %add3A = arith.addi %mul3A_0, %arg1 : i32
    %get3A = arith.index_cast %add3A : i32 to index
    %get3A_1 = memref.load %arg2[%get3A] : memref<16xi32, #tpu.memory_space<smem>>
    %lt3A = arith.constant 0 : i32
    %lt3A_2 = arith.cmpi slt, %get3A_1, %lt3A : i32
    %get3A_3 = arith.index_cast %add3A : i32 to index
    %get3A_4 = memref.load %arg2[%get3A_3] : memref<16xi32, #tpu.memory_space<smem>>
    %jit3A = arith.constant 7 : i32
    %select_n3A = arith.select %lt3A_2, %jit3A, %get3A_4 : i32
    %c0_i32 = arith.constant 0 : i32
    %c0_i32_5 = arith.constant 0 : i32
    %c0_i32_6 = arith.constant 0 : i32
    return %select_n3A, %c0_i32, %c0_i32_5 : i32, i32, i32
  }
  func.func @transform_5(%arg0: i32, %arg1: i32, %arg2: memref<16xi32, #tpu.memory_space<smem>>) -> (i32, i32, i32) {
    %mul3A = arith.constant 8 : i32
    %mul3A_0 = arith.muli %arg0, %mul3A : i32
    %add3A = arith.addi %mul3A_0, %arg1 : i32
    %get3A = arith.index_cast %add3A : i32 to index
    %get3A_1 = memref.load %arg2[%get3A] : memref<16xi32, #tpu.memory_space<smem>>
    %lt3A = arith.constant 0 : i32
    %lt3A_2 = arith.cmpi slt, %get3A_1, %lt3A : i32
    %get3A_3 = arith.index_cast %add3A : i32 to index
    %get3A_4 = memref.load %arg2[%get3A_3] : memref<16xi32, #tpu.memory_space<smem>>
    %jit3A = arith.constant 7 : i32
    %select_n3A = arith.select %lt3A_2, %jit3A, %get3A_4 : i32
    %c0_i32 = arith.constant 0 : i32
    %c0_i32_5 = arith.constant 0 : i32
    %c0_i32_6 = arith.constant 0 : i32
    return %select_n3A, %c0_i32, %c0_i32_5 : i32, i32, i32
  }
  func.func @transform_6(%arg0: i32, %arg1: i32, %arg2: memref<16xi32, #tpu.memory_space<smem>>) -> (i32, i32) {
    %mul3A = arith.constant 8 : i32
    %mul3A_0 = arith.muli %arg0, %mul3A : i32
    %add3A = arith.addi %mul3A_0, %arg1 : i32
    %get3A = arith.index_cast %add3A : i32 to index
    %get3A_1 = memref.load %arg2[%get3A] : memref<16xi32, #tpu.memory_space<smem>>
    %lt3A = arith.constant 0 : i32
    %lt3A_2 = arith.cmpi slt, %get3A_1, %lt3A : i32
    %jit3A = arith.constant 15 : i32
    %select_n3A = arith.select %lt3A_2, %jit3A, %add3A : i32
    %c0_i32 = arith.constant 0 : i32
    %c0_i32_3 = arith.constant 0 : i32
    return %select_n3A, %c0_i32 : i32, i32
  }
}

</mosaic_0001>

<sc_bundles>
// kernel: kernel.6.cloned.1.call-start
scs
__scs_entry_jumppad:
0x0: {  	(pc) =	sbr.rel $0x88, $3  }
0x1: {  	(tag) =	ssettag $0x0;
	lr =	simm.s32 $0x1  }
0x2: {  	[smem:$0x3F9B] =	sst lr;
	_ =	strace $0xD0000000  }
0x3: {  	_ = 	snop  }
0x4: {  	_ = 	snop  }
0x5: {  	_ = 	snop  }
0x6: {  	_ = 	snop  }
0x7: {  	_ = 	snop  }
__scs_overlays_trampoline_lowered:
0x8: {  	[smem:$0x3FAA] =	sst s0  }
0x9: {  	[smem:$0x3FAB] =	sst s1  }
0xa: {  	[smem:$0x3FAC] =	sst s2  }
0xb: {  	[smem:$0x3FAD] =	sst s3  }
0xc: {  	[smem:$0x3FAE] =	sst s4  }
0xd: {  	[smem:$0x3FAF] =	sst s5  }
0xe: {  	[smem:$0x3FB0] =	sst s6  }
0xf: {  	[smem:$0x3FB1] =	sst s7  }
0x10: {  	[smem:$0x3FB2] =	sst s8  }
0x11: {  	[smem:$0x3FB3] =	sst s9;
	s0 =	simm.s32 @!p0 $0x0  }
0x12: {  	s1 =	sld [smem:$0x3F99];
	s0 =	simm.s32 @p0 $0x1  }
0x13: {  	[smem:$0x3FB4] =	sst s0;
	s0 =	simm.s32 @!p1 $0x0  }
0x14: {  	s2 =	sld [smem:$0x3F98];
	s0 =	simm.s32 @p1 $0x1  }
0x15: {  	[smem:$0x3FB5] =	sst s0;
	s0 =	simm.s32 @!p2 $0x0  }
0x16: {  	s3 =	sld [smem:$0x3FDB];
	s0 =	simm.s32 @p2 $0x1  }
0x17: {  	s4 =	simm.s32 $0x1BF5;
	[smem:$0x3FB7] =	sst s0  }
0x18: {  	s0 =	sld [smem:$0x3F9A];
	_ =	swait.ge [sflag:s4], $0x0  }
0x19: {  	s7 =	sld [smem:$0x3F9B]  }
0x1a: {  	s8 =	sadd.s32 $0xFFFFE003, lr  }
0x1b: {  	s9 =	sadd.s32 $0xFFFFFEF7, lr;
	s5 =	simm.s32 $0xFFFFFFFF;
	p2 =	slt.u32 s8, $0xFFFFF086  }
0x1c: {  	p1 =	slt.u32 s9, $0xF7A;
	s5 =	simm.s32 @!p2 $0x0  }
0x1d: {  	s5 =	simm.s32 @p1 $0x1;
	p0 =	seq.s32 s7, s2  }
0x1e: {  	s7 =	smul.u32 @!p0 $0xF7A, s2;
	p2 =	seq.s32 @!p0 s5, $0x0  }
0x1f: {  	s9 =	smul.u32 $0xF7A, s1;
	s8 =	simm.s32 @!p0 $0x1BF5;
	p2 =	por !p2, p0  }
0x20: {  	[sflag:s8] =	ssyncset.s32 @!p0 $0xFFFFF086;
	s6 =	sadd.s32 @!p0 s3, s7;
	s7 =	simm.s32 @!p0 $0x108  }
0x21: {  	s3 =	sadd.s32 s3, s9;
	s6 =	sadd.s32 @!p0 $0x88, s6;
	s7 =	simm.s32 @p2 $0x1082  }
0x22: {  	[simem:s7], [sflag:s8] =	dma.local @!p0 [hbm:s6], $0xF7A  }
0x23: {  	s9 =	sor.u32 $0xD0000000, s2;
	s6 =	simm.s32 $0x108;
	_ =	swait.ge @!p0 [sflag:s8], $0x0  }
0x24: {  	s3 =	sadd.s32 $0x88, s3;
	s6 =	simm.s32 @!p1 $0x1082;
	[sflag:s4] =	ssyncset.s32 $0xFFFFF086  }
0x25: {  	[simem:s6], [sflag:s4] =	dma.local [hbm:s3], $0xF7A  }
0x26: {  	[smem:$0x3F9B] =	sst s1;
	(tag) =	ssettag s2;
	_ =	strace s9  }
0x27: {  	s1 =	sld [smem:$0x3FAB]  }
0x28: {  	s2 =	sld [smem:$0x3FAC]  }
0x29: {  	s4 =	sld [smem:$0x3FAE]  }
0x2a: {  	p0 =	seq.s32 s5, $0x0;
	s5 =	sld [smem:$0x3FAF]  }
0x2b: {  	s6 =	sld [smem:$0x3FB0]  }
0x2c: {  	s7 =	sld [smem:$0x3FB1]  }
0x2d: {  	s3 =	simm.s32 $0x108;
	s8 =	sld [smem:$0x3FB2]  }
0x2e: {  	s3 =	simm.s32 @!p0 $0x1082;
	s9 =	sld [smem:$0x3FB3]  }
0x2f: {  	lr =	sadd.s32 s0, s3;
	s0 =	sld [smem:$0x3FAA]  }
0x30: {  	s3 =	sld [smem:$0x3FAD]  }
0x31: {  	[smem:$0x3FB6] =	sst s10  }
0x32: {  	s10 =	sld [smem:$0x3FB4];
	_ =	sdelay $0x3  }
0x33: {  	p0 =	seq.s32 s10, $0x1;
	s10 =	sld [smem:$0x3FB6];
	_ =	sdelay $0x3  }
0x34: {  	[smem:$0x3FB6] =	sst s10  }
0x35: {  	s10 =	sld [smem:$0x3FB5];
	_ =	sdelay $0x3  }
0x36: {  	p1 =	seq.s32 s10, $0x1;
	s10 =	sld [smem:$0x3FB6];
	_ =	sdelay $0x3  }
0x37: {  	[smem:$0x3FB6] =	sst s10  }
0x38: {  	s10 =	sld [smem:$0x3FB7]  }
0x39: {  	_ = 	snop;
	(pc) =	sbr.ind lr, $3  }
0x3a: {  	_ = 	snop  }
0x3b: {  	_ = 	snop  }
0x3c: {  	p2 =	seq.s32 s10, $0x1;
	s10 =	sld [smem:$0x3FB6]  }
0x3d: {  	_ =	shalt  }
0x3e: {  	_ =	shalt  }
0x3f: {  	_ =	shalt  }
0x40: {  	_ =	shalt  }
0x41: {  	_ =	shalt  }
0x42: {  	_ =	shalt  }
0x43: {  	_ =	shalt  }
0x44: {  	_ =	shalt  }
0x45: {  	_ =	shalt  }
0x46: {  	_ =	shalt  }
0x47: {  	_ =	shalt  }
0x48: {  	_ =	shalt  }
0x49: {  	_ =	shalt  }
0x4a: {  	_ =	shalt  }
0x4b: {  	_ =	shalt  }
0x4c: {  	_ =	shalt  }
0x4d: {  	_ =	shalt  }
0x4e: {  	_ =	shalt  }
0x4f: {  	_ =	shalt  }
0x50: {  	_ =	shalt  }
0x51: {  	_ =	shalt  }
0x52: {  	_ =	shalt  }
0x53: {  	_ =	shalt  }
0x54: {  	_ =	shalt  }
0x55: {  	_ =	shalt  }
0x56: {  	_ =	shalt  }
0x57: {  	_ =	shalt  }
0x58: {  	_ =	shalt  }
0x59: {  	_ =	shalt  }
0x5a: {  	_ =	shalt  }
0x5b: {  	_ =	shalt  }
0x5c: {  	_ =	shalt  }
0x5d: {  	_ =	shalt  }
0x5e: {  	_ =	shalt  }
0x5f: {  	_ =	shalt  }
0x60: {  	_ =	shalt  }
0x61: {  	_ =	shalt  }
0x62: {  	_ =	shalt  }
0x63: {  	_ =	shalt  }
0x64: {  	_ =	shalt  }
0x65: {  	_ =	shalt  }
0x66: {  	_ =	shalt  }
0x67: {  	_ =	shalt  }
0x68: {  	_ =	shalt  }
0x69: {  	_ =	shalt  }
0x6a: {  	_ =	shalt  }
0x6b: {  	_ =	shalt  }
0x6c: {  	_ =	shalt  }
0x6d: {  	_ =	shalt  }
0x6e: {  	_ =	shalt  }
0x6f: {  	_ =	shalt  }
0x70: {  	_ =	shalt  }
0x71: {  	_ =	shalt  }
0x72: {  	_ =	shalt  }
0x73: {  	_ =	shalt  }
0x74: {  	_ =	shalt  }
0x75: {  	_ =	shalt  }
0x76: {  	_ =	shalt  }
0x77: {  	_ =	shalt  }
0x78: {  	_ =	shalt  }
0x79: {  	_ =	shalt  }
0x7a: {  	_ =	shalt  }
0x7b: {  	_ =	shalt  }
0x7c: {  	_ =	shalt  }
0x7d: {  	_ =	shalt  }
0x7e: {  	_ =	shalt  }
0x7f: {  	_ =	shalt  }
0x80: {  	_ =	shalt  }
0x81: {  	_ =	shalt  }
0x82: {  	_ =	shalt  }
0x83: {  	_ =	shalt  }
0x84: {  	_ =	shalt  }
0x85: {  	_ =	shalt  }
0x86: {  	_ =	shalt  }
0x87: {  	_ =	shalt  }
.Lfunc_end0:
.L_simem_size_0:
called_computation_lowered:
.L_overlay_start_0:
0x88: {  	s2 =	sld [smem:$0x3FD9]  }
0x89: {  	s3 =	sld [smem:$0x3FFE];
	_ =	sdelay $0x1  }
0x8a: {  	s1 =	srdreg.scid  }
0x8b: {  	s0 =	sand.u32 $0x1, s1  }
0x8c: {  	s17 =	sshll.u32 s0, $0xA;
	s2 =	sadd.s32 s3, s2  }
0x8d: {  	s2 =	sadd.s32 s2, s17  }
0x8e: {  	[smem:$0x3FC2] =	sst s2  }
0x8f: {  	_ = 	snop  }
0x90: {  	s2 =	sld [smem:$0x3FC9];
	(tm) =	ssettm $0x1  }
0x91: {  	s18 =	sld [smem:$0x3FFB];
	_ =	sdelay $0x3  }
0x92: {  	_ =	strace s18  }
0x93: {  	s3 =	sld [smem:$0x3FFC];
	_ =	sdelay $0x3  }
0x94: {  	_ =	strace s3  }
0x95: {  	s3 =	sld [smem:$0x3FFD];
	_ =	sdelay $0x3  }
0x96: {  	_ =	strace s3  }
0x97: {  	_ =	strace $0x8FFFFFFF  }
0x98: {  	s19 =	sld [smem:$0x3FDB];
	_ =	sdelay $0x1  }
0x99: {  	s4 =	simm.s32 $_scs_section_size  }
0x9a: {  	s5 =	simm.s32 $_size__tile_overlayer_lowered;
	s6 =	simm.s32 $_tile_overlayer_lowered  }
0x9b: {  	s22 =	simm.s32 $0x1BFF;
	s21 =	sshll.u32 s6, $0x1;
	s3 =	sadd.s32 s4, s19  }
0x9c: {  	s7 =	simm.s32 $0x0;
	s20 =	sshll.u32 s5, $0x1;
	s5 =	sadd.s32 s21, s3  }
0x9d: {  	[timem:s7], [sflag:s22] =	dma.local [hbm:s5], s20  }
0x9e: {  	_ =	swait.ge [sflag:s22], s20  }
0x9f: {  	s4 =	ssub.s32 $0x0, s20;
	[sflag:s22] =	ssyncset.done $0x0  }
0xa0: {  	[sflag:s22] =	ssyncadd.s32 s4;
	_ =	sdelay $0x1  }
0xa1: {  	s23 =	simm.s32 $0x1B8B  }
0xa2: {  	_ =	swait.ge [sflag:s23], $0x1  }
0xa3: {  	[sflag:s23] =	ssyncset.done $0x0  }
0xa4: {  	s25 =	simm.s32 $0x1B8E;
	s24 =	sld [smem:$0x3FFE];
	[sflag:s23] =	ssyncadd.s32 $0xFFFFFFFF  }
0xa5: {  	s26 =	simm.s32 $execute0_lowered;
	[smem:$0x3FD2] =	sst s25  }
0xa6: {  	s5 =	sshll.u32 s26, $0x1;
	_ =	strace $0x80000046;
	[dreg:$0x1] =	wrdreg $0xFFFFFFFF  }
0xa7: {  	s28 =	simm.s32 $_size_execute0_lowered;
	s3 =	sadd.s32 s3, s5;
	[dreg:$0x0] =	wrdreg $0x0  }
0xa8: {  	s5 =	sshll.u32 s28, $0x1;
	[dreg:$0x2] =	wrdreg s3  }
0xa9: {  	[dreg:$0x3] =	wrdreg s5  }
0xaa: {  	[dreg:$0x4] =	wrdreg $0xC0  }
0xab: {  	_ =	task [dreg:s7], $0x5FFFF  }
0xac: {  	[dreg:$0x1] =	wrdreg $0xFFFFFFFF  }
0xad: {  	[dreg:$0x0] =	wrdreg $0x60  }
0xae: {  	[dreg:$0x2] =	wrdreg s2  }
0xaf: {  	[dreg:$0x3] =	wrdreg s24  }
0xb0: {  	[dreg:$0x4] =	wrdreg $0x9  }
0xb1: {  	_ =	task.clear_ibuf [dreg:s7], $0x5FFFF;
	_ =	strace $0x90000046  }
0xb2: {  	s29 =	simm.s32 $0x9;
	_ =	strace $0x80000048  }
0xb3: {  	_ =	swait.ge [sflag:s29], $0x1  }
0xb4: {  	[sflag:s29] =	ssyncadd.s32 $0xFFFFFFFF  }
0xb5: {  	_ =	strace $0x90000048  }
0xb6: {  	_ =	sfence  }
0xb7: {  	s30 =	sld [smem:$0x0];
	_ =	sdelay $0x2  }
0xb8: {  	s31 =	sshll.u32 s1, $0xD;
	s1 =	sshrl.u32 s1, $0x2  }
0xb9: {  	s3 =	sand.u32 $0x4000, s31;
	s1 =	sadd.s32 s1, s30  }
0xba: {  	s0 =	sor.u32 s3, s0;
	s1 =	sshll.u32 s1, $0x11  }
0xbb: {  	s0 =	sor.u32 s1, s0  }
0xbc: {  	s0 =	sadd.s32 $0x8F2B, s0  }
0xbd: {  	[sflag:s0] =	ssyncadd.remote.s32 $0x1  }
0xbe: {  	_ =	sfence.sel $0xFFFF  }
0xbf: {  	[dreg:$0x0] =	wrdreg $0xFFFFFFFF;
	(pc) =	sbr.abs _section_cstart, $3  }
0xc0: {  	[dreg:$0x1] =	wrdreg $0xFFFFFFFF  }
0xc1: {  	_ =	task.clear_ibuf [dreg:s7], $0x2FFFF;
	_ =	strace $0x9FFFFFFF  }
0xc2: {  	(tm) =	ssettm $0x7FFFFFFF  }
0xc3: {  	_ =	shalt  }
tec
execute0_lowered:
.L_overlay_start_1:
0x0: {  	(tag) =	ssettag $0x1  }
0x1: {  	s1 =	srdreg.scid  }
0x2: {  	s3 =	rddreg [dreg:$0x0];
	s0 =	stileid.u32  }
0x3: {  	s5 =	rddreg [dreg:$0x1];
	s2 =	simm.s32 $0x0;
	s8 =	simm.s32 $0x80  }
0x4: {  	s26 =	simm.s32 $0x880;
	s9 =	simm.s32 $0x1080;
	s10 =	simm.s32 $0x1880  }
0x5: {  	s11 =	simm.s32 $0x2080;
	s12 =	simm.s32 $0x2880;
	s13 =	simm.s32 $0x3080  }
0x6: {  	s14 =	simm.s32 $0x3880;
	s15 =	simm.s32 $0x4080;
	s16 =	simm.s32 $0x4880  }
0x7: {  	s17 =	simm.s32 $0x5080;
	s18 =	simm.s32 $0x5880;
	s19 =	simm.s32 $0x6080  }
0x8: {  	s20 =	simm.s32 $0x6880;
	s21 =	simm.s32 $0x7080;
	s22 =	simm.s32 $0x7880  }
0x9: {  	s23 =	simm.s32 $0x8080;
	s24 =	simm.s32 $0x8880;
	s25 =	simm.s32 $0x9080  }
0xa: {  	s28 =	simm.s32 $0xA080;
	s29 =	simm.s32 $0xA880;
	s30 =	simm.s32 $0xB080  }
0xb: {  	s31 =	simm.s32 $0xB880;
	s1 =	sand.u32 $0x1, s1;
	[smem:$0x7FF] =	sst s2  }
0xc: {  	s4 =	sshll.u32 s0, $0x4;
	s6 =	sshll.u32 s1, $0x3;
	_ =	strace $0x80000047  }
0xd: {  	s1 =	ssub.s32 $0x2, s1;
	[dreg:$0x5] =	wrdreg s26;
	s4 =	sor.u32 s6, s4  }
0xe: {  	s7 =	sshrl.u32 s1, $0x1;
	s6 =	sadd.s32 s4, s5;
	s4 =	smul.u32 $0x300, s4  }
0xf: {  	s26 =	simm.s32 $0x9880;
	s1 =	ssub.s32 s1, s7;
	s6 =	sadd.s32 $0x2400, s6  }
0x10: {  	v2 =	vlaneseq.u32;
	s7 =	simm.s32 $0x2;
	[dreg:$0x3] =	wrdreg s6;
	s4 =	sadd.s32 s3, s4  }
0x11: {  	vm0 =	vmmov $0xffff;
	v1 =	vshrl.u32 v2, $0x3;
	s3 =	sadd.s32 $0x2600, s5;
	s6 =	smax.u32 s1, $0x1;
	s1 =	simm.s32 $0x1  }
0x12: {  	v0 =	vand.u32 $0x7, v2;
	v2 =	vor.u32 $0x8, v2;
	v1 =	vmul.u32 $0x8, v1;
	[dreg:$0x4] =	wrdreg s4;
	s4 =	sadd.s32 $0x2700, s5;
	s5 =	sadd.s32 $0x2800, s5  }
.LBB2_1:
0x13: {  	s0 =	rddreg [dreg:$0x3]  }
0x14: {  	[tilespmem:s2], [sflag:$0x2] =	stream.linear.gather [hbm4b:s0+s2], $0x40, $0x38;
	[tilespmem:$0xC080] =	vst v63  }
0x15: {  	_ =	swait.ge [sflag:s7], $0x40  }
0x16: {  	[sflag:s7] =	ssyncset.done $0x0  }
0x17: {  	s0 =	rddreg [dreg:$0x4];
	[sflag:s7] =	ssyncadd.s32 $0xFFFFFFC0  }
0x18: {  	[tilespmem:s8], [sflag:$0x2] =	stream.linear.gather [hbm4b:s0+s2], $0xC000, $0x38;
	[tilespmem:$0xC080] =	vst v63  }
0x19: {  	_ =	swait.ge [sflag:s7], $0xC000  }
0x1a: {  	[sflag:s7] =	ssyncset.done $0x0  }
0x1b: {  	[sflag:s7] =	ssyncadd.s32 $0xFFFF4000  }
0x1c: {  	v3 =	vld [tilespmem:$0x0];
	_ =	sdelay $0x4  }
0x1d: {  	v4 =	vshrl.u32 v3, $0x3  }
0x1e: {  	v4 =	vmul.u32 $0x30, v4  }
0x1f: {  	v3 =	vand.u32 $0x7, v3  }
0x20: {  	v3 =	vor.u32 v3, v4  }
0x21: {  	v4 =	vperm.xlane v3, v0;
	_ =	sdelay $0x1  }
0x22: {  	v4 =	vadd.s32 v1, v4;
	_ =	sdelay $0x3  }
0x23: {  	v3 =	vperm.xlane v3, v2  }
0x24: {  	[hbm4b:s3+s2] =	stream.indirect_vreg.scatter [tilespmem:s8], [sflag:$0x1], $0x80, v4, vm0, $0xb8;
	[tilespmem:$0xC080] =	vst v63  }
0x25: {  	s0 =	rddreg [dreg:$0x5];
	v3 =	vadd.s32 v1, v3  }
0x26: {  	[hbm4b:s4+s2] =	stream.indirect_vreg.scatter [tilespmem:s0], [sflag:$0x1], $0x80, v4, vm0, $0xb8;
	[tilespmem:$0xC080] =	vst v63  }
0x27: {  	_ = 	snop  }
0x28: {  	[hbm4b:s5+s2] =	stream.indirect_vreg.scatter [tilespmem:s9], [sflag:$0x1], $0x80, v4, vm0, $0xb8;
	[tilespmem:$0xC080] =	vst v63  }
0x29: {  	_ = 	snop  }
0x2a: {  	[hbm4b:s3+s2] =	stream.indirect_vreg.scatter [tilespmem:s10], [sflag:$0x1], $0x80, v3, vm0, $0xb8;
	[tilespmem:$0xC080] =	vst v63  }
0x2b: {  	_ = 	snop  }
0x2c: {  	[hbm4b:s4+s2] =	stream.indirect_vreg.scatter [tilespmem:s11], [sflag:$0x1], $0x80, v3, vm0, $0xb8;
	[tilespmem:$0xC080] =	vst v63  }
0x2d: {  	_ = 	snop  }
0x2e: {  	[hbm4b:s5+s2] =	stream.indirect_vreg.scatter [tilespmem:s12], [sflag:$0x1], $0x80, v3, vm0, $0xb8;
	[tilespmem:$0xC080] =	vst v63  }
0x2f: {  	v3 =	vld [tilespmem:$0x10];
	_ =	sdelay $0x4  }
0x30: {  	v61 =	vshrl.u32 v3, $0x3  }
0x31: {  	v4 =	vmul.u32 $0x30, v61  }
0x32: {  	v3 =	vand.u32 $0x7, v3  }
0x33: {  	v3 =	vor.u32 v3, v4  }
0x34: {  	v4 =	vperm.xlane v3, v0;
	_ =	sdelay $0x1  }
0x35: {  	v4 =	vadd.s32 v1, v4;
	_ =	sdelay $0x3  }
0x36: {  	v3 =	vperm.xlane v3, v2  }
0x37: {  	[hbm4b:s3+s2] =	stream.indirect_vreg.scatter [tilespmem:s13], [sflag:$0x1], $0x80, v4, vm0, $0xb8;
	[tilespmem:$0xC080] =	vst v63  }
0x38: {  	v3 =	vadd.s32 v1, v3  }
0x39: {  	[hbm4b:s4+s2] =	stream.indirect_vreg.scatter [tilespmem:s14], [sflag:$0x1], $0x80, v4, vm0, $0xb8;
	[tilespmem:$0xC080] =	vst v63  }
0x3a: {  	_ = 	snop  }
0x3b: {  	[hbm4b:s5+s2] =	stream.indirect_vreg.scatter [tilespmem:s15], [sflag:$0x1], $0x80, v4, vm0, $0xb8;
	[tilespmem:$0xC080] =	vst v63  }
0x3c: {  	_ = 	snop  }
0x3d: {  	[hbm4b:s3+s2] =	stream.indirect_vreg.scatter [tilespmem:s16], [sflag:$0x1], $0x80, v3, vm0, $0xb8;
	[tilespmem:$0xC080] =	vst v63  }
0x3e: {  	_ = 	snop  }
0x3f: {  	[hbm4b:s4+s2] =	stream.indirect_vreg.scatter [tilespmem:s17], [sflag:$0x1], $0x80, v3, vm0, $0xb8;
	[tilespmem:$0xC080] =	vst v63  }
0x40: {  	_ = 	snop  }
0x41: {  	[hbm4b:s5+s2] =	stream.indirect_vreg.scatter [tilespmem:s18], [sflag:$0x1], $0x80, v3, vm0, $0xb8;
	[tilespmem:$0xC080] =	vst v63  }
0x42: {  	v3 =	vld [tilespmem:$0x20];
	_ =	sdelay $0x4  }
0x43: {  	v62 =	vshrl.u32 v3, $0x3  }
0x44: {  	v4 =	vmul.u32 $0x30, v62  }
0x45: {  	v3 =	vand.u32 $0x7, v3  }
0x46: {  	v3 =	vor.u32 v3, v4  }
0x47: {  	v4 =	vperm.xlane v3, v0;
	_ =	sdelay $0x1  }
0x48: {  	v4 =	vadd.s32 v1, v4;
	_ =	sdelay $0x3  }
0x49: {  	v3 =	vperm.xlane v3, v2  }
0x4a: {  	[hbm4b:s3+s2] =	stream.indirect_vreg.scatter [tilespmem:s19], [sflag:$0x1], $0x80, v4, vm0, $0xb8;
	[tilespmem:$0xC080] =	vst v63  }
0x4b: {  	v3 =	vadd.s32 v1, v3  }
0x4c: {  	[hbm4b:s4+s2] =	stream.indirect_vreg.scatter [tilespmem:s20], [sflag:$0x1], $0x80, v4, vm0, $0xb8;
	[tilespmem:$0xC080] =	vst v63  }
0x4d: {  	_ = 	snop  }
0x4e: {  	[hbm4b:s5+s2] =	stream.indirect_vreg.scatter [tilespmem:s21], [sflag:$0x1], $0x80, v4, vm0, $0xb8;
	[tilespmem:$0xC080] =	vst v63  }
0x4f: {  	_ = 	snop  }
0x50: {  	[hbm4b:s3+s2] =	stream.indirect_vreg.scatter [tilespmem:s22], [sflag:$0x1], $0x80, v3, vm0, $0xb8;
	[tilespmem:$0xC080] =	vst v63  }
0x51: {  	_ = 	snop  }
0x52: {  	[hbm4b:s4+s2] =	stream.indirect_vreg.scatter [tilespmem:s23], [sflag:$0x1], $0x80, v3, vm0, $0xb8;
	[tilespmem:$0xC080] =	vst v63  }
0x53: {  	_ = 	snop  }
0x54: {  	[hbm4b:s5+s2] =	stream.indirect_vreg.scatter [tilespmem:s24], [sflag:$0x1], $0x80, v3, vm0, $0xb8;
	[tilespmem:$0xC080] =	vst v63  }
0x55: {  	v3 =	vld [tilespmem:$0x30];
	_ =	sdelay $0x4  }
0x56: {  	v63 =	vshrl.u32 v3, $0x3  }
0x57: {  	v4 =	vmul.u32 $0x30, v63  }
0x58: {  	v3 =	vand.u32 $0x7, v3  }
0x59: {  	v3 =	vor.u32 v3, v4  }
0x5a: {  	v4 =	vperm.xlane v3, v0;
	_ =	sdelay $0x1  }
0x5b: {  	v4 =	vadd.s32 v1, v4;
	_ =	sdelay $0x3  }
0x5c: {  	v3 =	vperm.xlane v3, v2  }
0x5d: {  	[hbm4b:s3+s2] =	stream.indirect_vreg.scatter [tilespmem:s25], [sflag:$0x1], $0x80, v4, vm0, $0xb8;
	[tilespmem:$0xC080] =	vst v63  }
0x5e: {  	v3 =	vadd.s32 v1, v3  }
0x5f: {  	[hbm4b:s4+s2] =	stream.indirect_vreg.scatter [tilespmem:s26], [sflag:$0x1], $0x80, v4, vm0, $0xb8;
	[tilespmem:$0xC080] =	vst v63  }
0x60: {  	_ = 	snop  }
0x61: {  	[hbm4b:s5+s2] =	stream.indirect_vreg.scatter [tilespmem:s28], [sflag:$0x1], $0x80, v4, vm0, $0xb8;
	[tilespmem:$0xC080] =	vst v63  }
0x62: {  	_ = 	snop  }
0x63: {  	[hbm4b:s3+s2] =	stream.indirect_vreg.scatter [tilespmem:s29], [sflag:$0x1], $0x80, v3, vm0, $0xb8;
	[tilespmem:$0xC080] =	vst v63  }
0x64: {  	p0 =	sne.s32 s6, $0x1  }
0x65: {  	[hbm4b:s4+s2] =	stream.indirect_vreg.scatter [tilespmem:s30], [sflag:$0x1], $0x80, v3, vm0, $0xb8;
	[tilespmem:$0xC080] =	vst v63  }
.Ltmp0:
0x66: {  	_ = 	snop;
	(pc) =	sbr.rel @p0 .LBB2_1-.Ltmp0, $4  }
0x67: {  	[hbm4b:s5+s2] =	stream.indirect_vreg.scatter [tilespmem:s31], [sflag:$0x1], $0x80, v3, vm0, $0xb8;
	[tilespmem:$0xC080] =	vst v63  }
0x68: {  	_ =	swait.ge [sflag:s1], $0xC000  }
0x69: {  	[sflag:s1] =	ssyncset.done $0x0  }
0x6a: {  	s6 =	sadd.s32 $0xFFFFFFFF, s6;
	[sflag:s1] =	ssyncadd.s32 $0xFFFF4000  }
0x6b: {  	_ =	sfence.sel $0x180000  }
0x6c: {  	[bflag:$0x0] =	sbarrier.arrive $0xFFFF  }
0x6d: {  	_ =	strace $0x90000047  }
0x6e: {  	s0 =	stileid.u32;
	[bflag:$0x2] =	sbarrier.arrive $0xFFFF  }
0x6f: {  	p0 =	sne.s32 s0, $0x0;
	s0 =	rddreg [dreg:$0x2]  }
0x70: {  	s0 =	sadd.s32 @!p0 $0x100000, s0  }
0x71: {  	[sflag:s0] =	ssyncadd.tile.s32 @!p0 $0x1;
	_ =	shalt  }
.Lfunc_end2:
_tile_overlayer_lowered:
.L_overlay_start_2:
0x72: {  	(tag) =	ssettag $0x2  }
0x73: {  	s0 =	rddreg [dreg:$0x0];
	s2 =	stileid.u32  }
0x74: {  	s1 =	rddreg [dreg:$0x1];
	p0 =	sne.s32 s2, $0x0  }
0x75: {  	s3 =	rddreg [dreg:$0x2];
	[bflag:$0x3] =	sbarrier.arrive $0xFFFF;
	s2 =	simm.s32 @!p0 $0x1C02  }
0x76: {  	[timem:s3], [sflag:s2] =	dma.local @!p0 [hbm:s0], s1  }
0x77: {  	s0 =	simm.s32 @!p0 $0x2  }
0x78: {  	_ =	swait.ge @!p0 [sflag:s0], s1  }
0x79: {  	s1 =	ssub.s32 @!p0 $0x0, s1;
	[sflag:s0] =	ssyncset.done @!p0 $0x0  }
0x7a: {  	[sflag:s0] =	ssyncadd.s32 @!p0 s1  }
0x7b: {  	[bflag:$0x3] =	sbarrier.arrive $0xFFFF  }
0x7c: {  	_ =	shalt  }

// kernel: kernel.9.cloned.1.call-start
scs
__scs_entry_jumppad:
0x0: {  	(pc) =	sbr.rel $0x88, $3  }
0x1: {  	(tag) =	ssettag $0x0;
	lr =	simm.s32 $0x1  }
0x2: {  	[smem:$0x3F9B] =	sst lr;
	_ =	strace $0xD0000000  }
0x3: {  	_ = 	snop  }
0x4: {  	_ = 	snop  }
0x5: {  	_ = 	snop  }
0x6: {  	_ = 	snop  }
0x7: {  	_ = 	snop  }
__scs_overlays_trampoline_lowered:
0x8: {  	[smem:$0x3FAA] =	sst s0  }
0x9: {  	[smem:$0x3FAB] =	sst s1  }
0xa: {  	[smem:$0x3FAC] =	sst s2  }
0xb: {  	[smem:$0x3FAD] =	sst s3  }
0xc: {  	[smem:$0x3FAE] =	sst s4  }
0xd: {  	[smem:$0x3FAF] =	sst s5  }
0xe: {  	[smem:$0x3FB0] =	sst s6  }
0xf: {  	[smem:$0x3FB1] =	sst s7  }
0x10: {  	[smem:$0x3FB2] =	sst s8  }
0x11: {  	[smem:$0x3FB3] =	sst s9;
	s0 =	simm.s32 @!p0 $0x0  }
0x12: {  	s1 =	sld [smem:$0x3F99];
	s0 =	simm.s32 @p0 $0x1  }
0x13: {  	[smem:$0x3FB4] =	sst s0;
	s0 =	simm.s32 @!p1 $0x0  }
0x14: {  	s2 =	sld [smem:$0x3F98];
	s0 =	simm.s32 @p1 $0x1  }
0x15: {  	[smem:$0x3FB5] =	sst s0;
	s0 =	simm.s32 @!p2 $0x0  }
0x16: {  	s3 =	sld [smem:$0x3FDB];
	s0 =	simm.s32 @p2 $0x1  }
0x17: {  	s4 =	simm.s32 $0x1BF5;
	[smem:$0x3FB7] =	sst s0  }
0x18: {  	s0 =	sld [smem:$0x3F9A];
	_ =	swait.ge [sflag:s4], $0x0  }
0x19: {  	s7 =	sld [smem:$0x3F9B]  }
0x1a: {  	s8 =	sadd.s32 $0xFFFFE003, lr  }
0x1b: {  	s9 =	sadd.s32 $0xFFFFFEF7, lr;
	s5 =	simm.s32 $0xFFFFFFFF;
	p2 =	slt.u32 s8, $0xFFFFF086  }
0x1c: {  	p1 =	slt.u32 s9, $0xF7A;
	s5 =	simm.s32 @!p2 $0x0  }
0x1d: {  	s5 =	simm.s32 @p1 $0x1;
	p0 =	seq.s32 s7, s2  }
0x1e: {  	s7 =	smul.u32 @!p0 $0xF7A, s2;
	p2 =	seq.s32 @!p0 s5, $0x0  }
0x1f: {  	s9 =	smul.u32 $0xF7A, s1;
	s8 =	simm.s32 @!p0 $0x1BF5;
	p2 =	por !p2, p0  }
0x20: {  	[sflag:s8] =	ssyncset.s32 @!p0 $0xFFFFF086;
	s6 =	sadd.s32 @!p0 s3, s7;
	s7 =	simm.s32 @!p0 $0x108  }
0x21: {  	s3 =	sadd.s32 s3, s9;
	s6 =	sadd.s32 @!p0 $0x88, s6;
	s7 =	simm.s32 @p2 $0x1082  }
0x22: {  	[simem:s7], [sflag:s8] =	dma.local @!p0 [hbm:s6], $0xF7A  }
0x23: {  	s9 =	sor.u32 $0xD0000000, s2;
	s6 =	simm.s32 $0x108;
	_ =	swait.ge @!p0 [sflag:s8], $0x0  }
0x24: {  	s3 =	sadd.s32 $0x88, s3;
	s6 =	simm.s32 @!p1 $0x1082;
	[sflag:s4] =	ssyncset.s32 $0xFFFFF086  }
0x25: {  	[simem:s6], [sflag:s4] =	dma.local [hbm:s3], $0xF7A  }
0x26: {  	[smem:$0x3F9B] =	sst s1;
	(tag) =	ssettag s2;
	_ =	strace s9  }
0x27: {  	s1 =	sld [smem:$0x3FAB]  }
0x28: {  	s2 =	sld [smem:$0x3FAC]  }
0x29: {  	s4 =	sld [smem:$0x3FAE]  }
0x2a: {  	p0 =	seq.s32 s5, $0x0;
	s5 =	sld [smem:$0x3FAF]  }
0x2b: {  	s6 =	sld [smem:$0x3FB0]  }
0x2c: {  	s7 =	sld [smem:$0x3FB1]  }
0x2d: {  	s3 =	simm.s32 $0x108;
	s8 =	sld [smem:$0x3FB2]  }
0x2e: {  	s3 =	simm.s32 @!p0 $0x1082;
	s9 =	sld [smem:$0x3FB3]  }
0x2f: {  	lr =	sadd.s32 s0, s3;
	s0 =	sld [smem:$0x3FAA]  }
0x30: {  	s3 =	sld [smem:$0x3FAD]  }
0x31: {  	[smem:$0x3FB6] =	sst s10  }
0x32: {  	s10 =	sld [smem:$0x3FB4];
	_ =	sdelay $0x3  }
0x33: {  	p0 =	seq.s32 s10, $0x1;
	s10 =	sld [smem:$0x3FB6];
	_ =	sdelay $0x3  }
0x34: {  	[smem:$0x3FB6] =	sst s10  }
0x35: {  	s10 =	sld [smem:$0x3FB5];
	_ =	sdelay $0x3  }
0x36: {  	p1 =	seq.s32 s10, $0x1;
	s10 =	sld [smem:$0x3FB6];
	_ =	sdelay $0x3  }
0x37: {  	[smem:$0x3FB6] =	sst s10  }
0x38: {  	s10 =	sld [smem:$0x3FB7]  }
0x39: {  	_ = 	snop;
	(pc) =	sbr.ind lr, $3  }
0x3a: {  	_ = 	snop  }
0x3b: {  	_ = 	snop  }
0x3c: {  	p2 =	seq.s32 s10, $0x1;
	s10 =	sld [smem:$0x3FB6]  }
0x3d: {  	_ =	shalt  }
0x3e: {  	_ =	shalt  }
0x3f: {  	_ =	shalt  }
0x40: {  	_ =	shalt  }
0x41: {  	_ =	shalt  }
0x42: {  	_ =	shalt  }
0x43: {  	_ =	shalt  }
0x44: {  	_ =	shalt  }
0x45: {  	_ =	shalt  }
0x46: {  	_ =	shalt  }
0x47: {  	_ =	shalt  }
0x48: {  	_ =	shalt  }
0x49: {  	_ =	shalt  }
0x4a: {  	_ =	shalt  }
0x4b: {  	_ =	shalt  }
0x4c: {  	_ =	shalt  }
0x4d: {  	_ =	shalt  }
0x4e: {  	_ =	shalt  }
0x4f: {  	_ =	shalt  }
0x50: {  	_ =	shalt  }
0x51: {  	_ =	shalt  }
0x52: {  	_ =	shalt  }
0x53: {  	_ =	shalt  }
0x54: {  	_ =	shalt  }
0x55: {  	_ =	shalt  }
0x56: {  	_ =	shalt  }
0x57: {  	_ =	shalt  }
0x58: {  	_ =	shalt  }
0x59: {  	_ =	shalt  }
0x5a: {  	_ =	shalt  }
0x5b: {  	_ =	shalt  }
0x5c: {  	_ =	shalt  }
0x5d: {  	_ =	shalt  }
0x5e: {  	_ =	shalt  }
0x5f: {  	_ =	shalt  }
0x60: {  	_ =	shalt  }
0x61: {  	_ =	shalt  }
0x62: {  	_ =	shalt  }
0x63: {  	_ =	shalt  }
0x64: {  	_ =	shalt  }
0x65: {  	_ =	shalt  }
0x66: {  	_ =	shalt  }
0x67: {  	_ =	shalt  }
0x68: {  	_ =	shalt  }
0x69: {  	_ =	shalt  }
0x6a: {  	_ =	shalt  }
0x6b: {  	_ =	shalt  }
0x6c: {  	_ =	shalt  }
0x6d: {  	_ =	shalt  }
0x6e: {  	_ =	shalt  }
0x6f: {  	_ =	shalt  }
0x70: {  	_ =	shalt  }
0x71: {  	_ =	shalt  }
0x72: {  	_ =	shalt  }
0x73: {  	_ =	shalt  }
0x74: {  	_ =	shalt  }
0x75: {  	_ =	shalt  }
0x76: {  	_ =	shalt  }
0x77: {  	_ =	shalt  }
0x78: {  	_ =	shalt  }
0x79: {  	_ =	shalt  }
0x7a: {  	_ =	shalt  }
0x7b: {  	_ =	shalt  }
0x7c: {  	_ =	shalt  }
0x7d: {  	_ =	shalt  }
0x7e: {  	_ =	shalt  }
0x7f: {  	_ =	shalt  }
0x80: {  	_ =	shalt  }
0x81: {  	_ =	shalt  }
0x82: {  	_ =	shalt  }
0x83: {  	_ =	shalt  }
0x84: {  	_ =	shalt  }
0x85: {  	_ =	shalt  }
0x86: {  	_ =	shalt  }
0x87: {  	_ =	shalt  }
.Lfunc_end0:
.L_simem_size_0:
called_computation.1_lowered:
.L_overlay_start_0:
0x88: {  	s2 =	sld [smem:$0x3FD9]  }
0x89: {  	s3 =	sld [smem:$0x3FFE];
	_ =	sdelay $0x1  }
0x8a: {  	s1 =	srdreg.scid  }
0x8b: {  	s0 =	sand.u32 $0x1, s1  }
0x8c: {  	s17 =	sshll.u32 s0, $0xA;
	s2 =	sadd.s32 s3, s2  }
0x8d: {  	s2 =	sadd.s32 s2, s17  }
0x8e: {  	[smem:$0x3FC2] =	sst s2  }
0x8f: {  	_ = 	snop  }
0x90: {  	s2 =	sld [smem:$0x3FD0];
	(tm) =	ssettm $0x1  }
0x91: {  	s18 =	sld [smem:$0x3FFB];
	_ =	sdelay $0x3  }
0x92: {  	_ =	strace s18  }
0x93: {  	s3 =	sld [smem:$0x3FFC];
	_ =	sdelay $0x3  }
0x94: {  	_ =	strace s3  }
0x95: {  	s3 =	sld [smem:$0x3FFD];
	_ =	sdelay $0x3  }
0x96: {  	_ =	strace s3  }
0x97: {  	_ =	strace $0x8FFFFFFF  }
0x98: {  	s19 =	sld [smem:$0x3FDB];
	_ =	sdelay $0x1  }
0x99: {  	s4 =	simm.s32 $_scs_section_size  }
0x9a: {  	s5 =	simm.s32 $_size__tile_overlayer_lowered;
	s6 =	simm.s32 $_tile_overlayer_lowered  }
0x9b: {  	s22 =	simm.s32 $0x1BFF;
	s21 =	sshll.u32 s6, $0x1;
	s3 =	sadd.s32 s4, s19  }
0x9c: {  	s7 =	simm.s32 $0x0;
	s20 =	sshll.u32 s5, $0x1;
	s5 =	sadd.s32 s21, s3  }
0x9d: {  	[timem:s7], [sflag:s22] =	dma.local [hbm:s5], s20  }
0x9e: {  	_ =	swait.ge [sflag:s22], s20  }
0x9f: {  	s4 =	ssub.s32 $0x0, s20;
	[sflag:s22] =	ssyncset.done $0x0  }
0xa0: {  	[sflag:s22] =	ssyncadd.s32 s4;
	_ =	sdelay $0x1  }
0xa1: {  	s23 =	simm.s32 $0x1B8B  }
0xa2: {  	_ =	swait.ge [sflag:s23], $0x1  }
0xa3: {  	[sflag:s23] =	ssyncset.done $0x0  }
0xa4: {  	s25 =	simm.s32 $0x1B8E;
	s24 =	sld [smem:$0x3FFE];
	[sflag:s23] =	ssyncadd.s32 $0xFFFFFFFF  }
0xa5: {  	s26 =	simm.s32 $execute0_lowered;
	[smem:$0x3FD2] =	sst s25  }
0xa6: {  	s5 =	sshll.u32 s26, $0x1;
	_ =	strace $0x80000049;
	[dreg:$0x1] =	wrdreg $0xFFFFFFFF  }
0xa7: {  	s28 =	simm.s32 $_size_execute0_lowered;
	s3 =	sadd.s32 s3, s5;
	[dreg:$0x0] =	wrdreg $0x0  }
0xa8: {  	s5 =	sshll.u32 s28, $0x1;
	[dreg:$0x2] =	wrdreg s3  }
0xa9: {  	[dreg:$0x3] =	wrdreg s5  }
0xaa: {  	[dreg:$0x4] =	wrdreg $0xC0  }
0xab: {  	_ =	task [dreg:s7], $0x5FFFF  }
0xac: {  	[dreg:$0x1] =	wrdreg $0xFFFFFFFF  }
0xad: {  	[dreg:$0x0] =	wrdreg $0x60  }
0xae: {  	[dreg:$0x2] =	wrdreg s24  }
0xaf: {  	[dreg:$0x3] =	wrdreg s2  }
0xb0: {  	[dreg:$0x4] =	wrdreg $0x9  }
0xb1: {  	_ =	task.clear_ibuf [dreg:s7], $0x5FFFF;
	_ =	strace $0x90000049  }
0xb2: {  	s29 =	simm.s32 $0x9;
	_ =	strace $0x8000004B  }
0xb3: {  	_ =	swait.ge [sflag:s29], $0x1  }
0xb4: {  	[sflag:s29] =	ssyncadd.s32 $0xFFFFFFFF  }
0xb5: {  	_ =	strace $0x9000004B  }
0xb6: {  	_ =	sfence  }
0xb7: {  	s30 =	sld [smem:$0x0];
	_ =	sdelay $0x2  }
0xb8: {  	s31 =	sshll.u32 s1, $0xD;
	s1 =	sshrl.u32 s1, $0x2  }
0xb9: {  	s3 =	sand.u32 $0x4000, s31;
	s1 =	sadd.s32 s1, s30  }
0xba: {  	s0 =	sor.u32 s3, s0;
	s1 =	sshll.u32 s1, $0x11  }
0xbb: {  	s0 =	sor.u32 s1, s0  }
0xbc: {  	s0 =	sadd.s32 $0x8F2B, s0  }
0xbd: {  	[sflag:s0] =	ssyncadd.remote.s32 $0x1  }
0xbe: {  	_ =	sfence.sel $0xFFFF  }
0xbf: {  	[dreg:$0x0] =	wrdreg $0xFFFFFFFF;
	(pc) =	sbr.abs _section_cstart, $3  }
0xc0: {  	[dreg:$0x1] =	wrdreg $0xFFFFFFFF  }
0xc1: {  	_ =	task.clear_ibuf [dreg:s7], $0x2FFFF;
	_ =	strace $0x9FFFFFFF  }
0xc2: {  	(tm) =	ssettm $0x7FFFFFFF  }
0xc3: {  	_ =	shalt  }
tec
execute0_lowered:
.L_overlay_start_1:
0x0: {  	(tag) =	ssettag $0x1  }
0x1: {  	s0 =	rddreg [dreg:$0x0]  }
0x2: {  	s5 =	rddreg [dreg:$0x1];
	s3 =	srdreg.scid  }
0x3: {  	s2 =	simm.s32 $0x0;
	s1 =	stileid.u32;
	s26 =	simm.s32 $0x880  }
0x4: {  	s10 =	simm.s32 $0x1880;
	s11 =	simm.s32 $0x2080;
	s12 =	simm.s32 $0x2880  }
0x5: {  	s13 =	simm.s32 $0x3080;
	s14 =	simm.s32 $0x3880;
	s15 =	simm.s32 $0x4080  }
0x6: {  	s16 =	simm.s32 $0x4880;
	s17 =	simm.s32 $0x5080;
	s18 =	simm.s32 $0x5880  }
0x7: {  	s19 =	simm.s32 $0x6080;
	s20 =	simm.s32 $0x6880;
	s21 =	simm.s32 $0x7080  }
0x8: {  	s22 =	simm.s32 $0x7880;
	s28 =	simm.s32 $0xA080;
	s29 =	simm.s32 $0xA880  }
0x9: {  	s30 =	simm.s32 $0xB080;
	s31 =	simm.s32 $0xB880;
	s3 =	sand.u32 $0x1, s3  }
0xa: {  	[smem:$0x7FF] =	sst s2;
	s4 =	sshll.u32 s1, $0x4;
	s6 =	sshll.u32 s3, $0x3  }
0xb: {  	_ =	strace $0x8000004A;
	s23 =	ssub.s32 $0x2, s3;
	s3 =	sadd.s32 $0x62600, s0  }
0xc: {  	[dreg:$0x5] =	wrdreg s26;
	s26 =	simm.s32 $0x9880;
	s4 =	sor.u32 s6, s4  }
0xd: {  	s8 =	sshrl.u32 s23, $0x1;
	s7 =	sadd.s32 s4, s0;
	s9 =	smul.u32 $0x300, s4  }
0xe: {  	s6 =	ssub.s32 s23, s8;
	s4 =	sadd.s32 $0x62700, s0;
	s8 =	simm.s32 $0x80  }
0xf: {  	s23 =	simm.s32 $0x8080;
	s24 =	sadd.s32 $0x2400, s7;
	s6 =	smax.u32 s6, $0x1  }
0x10: {  	v2 =	vlaneseq.u32;
	s7 =	simm.s32 $0x2;
	[dreg:$0x3] =	wrdreg s24;
	s25 =	sadd.s32 s5, s9  }
0x11: {  	vm0 =	vmmov $0xffff;
	v1 =	vshrl.u32 v2, $0x3;
	s5 =	sadd.s32 $0x62800, s0;
	s9 =	simm.s32 $0x1080;
	s24 =	simm.s32 $0x8880  }
0x12: {  	v0 =	vand.u32 $0x7, v2;
	v2 =	vor.u32 $0x8, v2;
	v1 =	vmul.u32 $0x8, v1;
	s0 =	simm.s32 $0x1;
	[dreg:$0x4] =	wrdreg s25;
	s25 =	simm.s32 $0x9080  }
.LBB2_1:
0x13: {  	s1 =	rddreg [dreg:$0x3]  }
0x14: {  	[tilespmem:s2], [sflag:$0x2] =	stream.linear.gather [hbm4b:s1+s2], $0x40, $0x38;
	[tilespmem:$0xC080] =	vst v63  }
0x15: {  	_ =	swait.ge [sflag:s7], $0x40  }
0x16: {  	[sflag:s7] =	ssyncset.done $0x0  }
0x17: {  	[sflag:s7] =	ssyncadd.s32 $0xFFFFFFC0  }
0x18: {  	v3 =	vld [tilespmem:$0x0];
	_ =	sdelay $0x4  }
0x19: {  	v4 =	vshrl.u32 v3, $0x3  }
0x1a: {  	v4 =	vmul.u32 $0x30, v4  }
0x1b: {  	v3 =	vand.u32 $0x7, v3  }
0x1c: {  	v3 =	vor.u32 v3, v4  }
0x1d: {  	v4 =	vperm.xlane v3, v0;
	_ =	sdelay $0x1  }
0x1e: {  	v4 =	vadd.s32 v1, v4;
	_ =	sdelay $0x3  }
0x1f: {  	v3 =	vperm.xlane v3, v2  }
0x20: {  	[tilespmem:s8], [sflag:$0x1] =	stream.indirect_vreg.gather [hbm4b:s3+s2], $0x80, v4, vm0, $0xb8;
	[tilespmem:$0xC080] =	vst v63  }
0x21: {  	s1 =	rddreg [dreg:$0x5];
	v3 =	vadd.s32 v1, v3  }
0x22: {  	[tilespmem:s1], [sflag:$0x1] =	stream.indirect_vreg.gather [hbm4b:s4+s2], $0x80, v4, vm0, $0xb8;
	[tilespmem:$0xC080] =	vst v63  }
0x23: {  	_ = 	snop  }
0x24: {  	[tilespmem:s9], [sflag:$0x1] =	stream.indirect_vreg.gather [hbm4b:s5+s2], $0x80, v4, vm0, $0xb8;
	[tilespmem:$0xC080] =	vst v63  }
0x25: {  	_ = 	snop  }
0x26: {  	[tilespmem:s10], [sflag:$0x1] =	stream.indirect_vreg.gather [hbm4b:s3+s2], $0x80, v3, vm0, $0xb8;
	[tilespmem:$0xC080] =	vst v63  }
0x27: {  	_ = 	snop  }
0x28: {  	[tilespmem:s11], [sflag:$0x1] =	stream.indirect_vreg.gather [hbm4b:s4+s2], $0x80, v3, vm0, $0xb8;
	[tilespmem:$0xC080] =	vst v63  }
0x29: {  	_ = 	snop  }
0x2a: {  	[tilespmem:s12], [sflag:$0x1] =	stream.indirect_vreg.gather [hbm4b:s5+s2], $0x80, v3, vm0, $0xb8;
	[tilespmem:$0xC080] =	vst v63  }
0x2b: {  	v3 =	vld [tilespmem:$0x10];
	_ =	sdelay $0x4  }
0x2c: {  	v61 =	vshrl.u32 v3, $0x3  }
0x2d: {  	v4 =	vmul.u32 $0x30, v61  }
0x2e: {  	v3 =	vand.u32 $0x7, v3  }
0x2f: {  	v3 =	vor.u32 v3, v4  }
0x30: {  	v4 =	vperm.xlane v3, v0;
	_ =	sdelay $0x1  }
0x31: {  	v4 =	vadd.s32 v1, v4;
	_ =	sdelay $0x3  }
0x32: {  	v3 =	vperm.xlane v3, v2  }
0x33: {  	[tilespmem:s13], [sflag:$0x1] =	stream.indirect_vreg.gather [hbm4b:s3+s2], $0x80, v4, vm0, $0xb8;
	[tilespmem:$0xC080] =	vst v63  }
0x34: {  	v3 =	vadd.s32 v1, v3  }
0x35: {  	[tilespmem:s14], [sflag:$0x1] =	stream.indirect_vreg.gather [hbm4b:s4+s2], $0x80, v4, vm0, $0xb8;
	[tilespmem:$0xC080] =	vst v63  }
0x36: {  	_ = 	snop  }
0x37: {  	[tilespmem:s15], [sflag:$0x1] =	stream.indirect_vreg.gather [hbm4b:s5+s2], $0x80, v4, vm0, $0xb8;
	[tilespmem:$0xC080] =	vst v63  }
0x38: {  	_ = 	snop  }
0x39: {  	[tilespmem:s16], [sflag:$0x1] =	stream.indirect_vreg.gather [hbm4b:s3+s2], $0x80, v3, vm0, $0xb8;
	[tilespmem:$0xC080] =	vst v63  }
0x3a: {  	_ = 	snop  }
0x3b: {  	[tilespmem:s17], [sflag:$0x1] =	stream.indirect_vreg.gather [hbm4b:s4+s2], $0x80, v3, vm0, $0xb8;
	[tilespmem:$0xC080] =	vst v63  }
0x3c: {  	_ = 	snop  }
0x3d: {  	[tilespmem:s18], [sflag:$0x1] =	stream.indirect_vreg.gather [hbm4b:s5+s2], $0x80, v3, vm0, $0xb8;
	[tilespmem:$0xC080] =	vst v63  }
0x3e: {  	v3 =	vld [tilespmem:$0x20];
	_ =	sdelay $0x4  }
0x3f: {  	v62 =	vshrl.u32 v3, $0x3  }
0x40: {  	v4 =	vmul.u32 $0x30, v62  }
0x41: {  	v3 =	vand.u32 $0x7, v3  }
0x42: {  	v3 =	vor.u32 v3, v4  }
0x43: {  	v4 =	vperm.xlane v3, v0;
	_ =	sdelay $0x1  }
0x44: {  	v4 =	vadd.s32 v1, v4;
	_ =	sdelay $0x3  }
0x45: {  	v3 =	vperm.xlane v3, v2  }
0x46: {  	[tilespmem:s19], [sflag:$0x1] =	stream.indirect_vreg.gather [hbm4b:s3+s2], $0x80, v4, vm0, $0xb8;
	[tilespmem:$0xC080] =	vst v63  }
0x47: {  	v3 =	vadd.s32 v1, v3  }
0x48: {  	[tilespmem:s20], [sflag:$0x1] =	stream.indirect_vreg.gather [hbm4b:s4+s2], $0x80, v4, vm0, $0xb8;
	[tilespmem:$0xC080] =	vst v63  }
0x49: {  	_ = 	snop  }
0x4a: {  	[tilespmem:s21], [sflag:$0x1] =	stream.indirect_vreg.gather [hbm4b:s5+s2], $0x80, v4, vm0, $0xb8;
	[tilespmem:$0xC080] =	vst v63  }
0x4b: {  	_ = 	snop  }
0x4c: {  	[tilespmem:s22], [sflag:$0x1] =	stream.indirect_vreg.gather [hbm4b:s3+s2], $0x80, v3, vm0, $0xb8;
	[tilespmem:$0xC080] =	vst v63  }
0x4d: {  	_ = 	snop  }
0x4e: {  	[tilespmem:s23], [sflag:$0x1] =	stream.indirect_vreg.gather [hbm4b:s4+s2], $0x80, v3, vm0, $0xb8;
	[tilespmem:$0xC080] =	vst v63  }
0x4f: {  	_ = 	snop  }
0x50: {  	[tilespmem:s24], [sflag:$0x1] =	stream.indirect_vreg.gather [hbm4b:s5+s2], $0x80, v3, vm0, $0xb8;
	[tilespmem:$0xC080] =	vst v63  }
0x51: {  	v3 =	vld [tilespmem:$0x30];
	_ =	sdelay $0x4  }
0x52: {  	v63 =	vshrl.u32 v3, $0x3  }
0x53: {  	v4 =	vmul.u32 $0x30, v63  }
0x54: {  	v3 =	vand.u32 $0x7, v3  }
0x55: {  	v3 =	vor.u32 v3, v4  }
0x56: {  	v4 =	vperm.xlane v3, v0;
	_ =	sdelay $0x1  }
0x57: {  	v4 =	vadd.s32 v1, v4;
	_ =	sdelay $0x3  }
0x58: {  	v3 =	vperm.xlane v3, v2  }
0x59: {  	[tilespmem:s25], [sflag:$0x1] =	stream.indirect_vreg.gather [hbm4b:s3+s2], $0x80, v4, vm0, $0xb8;
	[tilespmem:$0xC080] =	vst v63  }
0x5a: {  	v3 =	vadd.s32 v1, v3  }
0x5b: {  	[tilespmem:s26], [sflag:$0x1] =	stream.indirect_vreg.gather [hbm4b:s4+s2], $0x80, v4, vm0, $0xb8;
	[tilespmem:$0xC080] =	vst v63  }
0x5c: {  	_ = 	snop  }
0x5d: {  	[tilespmem:s28], [sflag:$0x1] =	stream.indirect_vreg.gather [hbm4b:s5+s2], $0x80, v4, vm0, $0xb8;
	[tilespmem:$0xC080] =	vst v63  }
0x5e: {  	_ = 	snop  }
0x5f: {  	[tilespmem:s29], [sflag:$0x1] =	stream.indirect_vreg.gather [hbm4b:s3+s2], $0x80, v3, vm0, $0xb8;
	[tilespmem:$0xC080] =	vst v63  }
0x60: {  	_ = 	snop  }
0x61: {  	[tilespmem:s30], [sflag:$0x1] =	stream.indirect_vreg.gather [hbm4b:s4+s2], $0x80, v3, vm0, $0xb8;
	[tilespmem:$0xC080] =	vst v63  }
0x62: {  	_ = 	snop  }
0x63: {  	[tilespmem:s31], [sflag:$0x1] =	stream.indirect_vreg.gather [hbm4b:s5+s2], $0x80, v3, vm0, $0xb8;
	[tilespmem:$0xC080] =	vst v63  }
0x64: {  	_ =	swait.ge [sflag:s0], $0xC000  }
0x65: {  	p0 =	sne.s32 s6, $0x1;
	[sflag:s0] =	ssyncset.done $0x0  }
.Ltmp0:
0x66: {  	s1 =	rddreg [dreg:$0x4];
	[sflag:s0] =	ssyncadd.s32 $0xFFFF4000;
	(pc) =	sbr.rel @p0 .LBB2_1-.Ltmp0, $4  }
0x67: {  	[hbm4b:s1+s2] =	stream.linear.scatter [tilespmem:s8], [sflag:$0x2], $0xC000, $0x38;
	[tilespmem:$0xC080] =	vst v63  }
0x68: {  	_ =	swait.ge [sflag:s7], $0xC000  }
0x69: {  	[sflag:s7] =	ssyncset.done $0x0  }
0x6a: {  	s6 =	sadd.s32 $0xFFFFFFFF, s6;
	[sflag:s7] =	ssyncadd.s32 $0xFFFF4000  }
0x6b: {  	_ =	sfence.sel $0x180000  }
0x6c: {  	[bflag:$0x0] =	sbarrier.arrive $0xFFFF  }
0x6d: {  	_ =	strace $0x9000004A  }
0x6e: {  	s0 =	stileid.u32;
	[bflag:$0x2] =	sbarrier.arrive $0xFFFF  }
0x6f: {  	p0 =	sne.s32 s0, $0x0;
	s0 =	rddreg [dreg:$0x2]  }
0x70: {  	s0 =	sadd.s32 @!p0 $0x100000, s0  }
0x71: {  	[sflag:s0] =	ssyncadd.tile.s32 @!p0 $0x1;
	_ =	shalt  }
.Lfunc_end2:
_tile_overlayer_lowered:
.L_overlay_start_2:
0x72: {  	(tag) =	ssettag $0x2  }
0x73: {  	s0 =	rddreg [dreg:$0x0];
	s2 =	stileid.u32  }
0x74: {  	s1 =	rddreg [dreg:$0x1];
	p0 =	sne.s32 s2, $0x0  }
0x75: {  	s3 =	rddreg [dreg:$0x2];
	[bflag:$0x3] =	sbarrier.arrive $0xFFFF;
	s2 =	simm.s32 @!p0 $0x1C02  }
0x76: {  	[timem:s3], [sflag:s2] =	dma.local @!p0 [hbm:s0], s1  }
0x77: {  	s0 =	simm.s32 @!p0 $0x2  }
0x78: {  	_ =	swait.ge @!p0 [sflag:s0], s1  }
0x79: {  	s1 =	ssub.s32 @!p0 $0x0, s1;
	[sflag:s0] =	ssyncset.done @!p0 $0x0  }
0x7a: {  	[sflag:s0] =	ssyncadd.s32 @!p0 s1  }
0x7b: {  	[bflag:$0x3] =	sbarrier.arrive $0xFFFF  }
0x7c: {  	_ =	shalt  }

</sc_bundles>
